<compile_context>
chip_gen: v7x
topology: tpu7x:2x2x1
jax: 0.10.2.dev20260603
libtpu: 0.0.44.dev20260713+nightly
codegen_flags: <defaults>
</compile_context>

<pallas_src>
import functools

import jax
import jax.numpy as jnp
from jax import lax
from jax.experimental import pallas as pl
from jax.experimental.pallas import tpu as pltpu
from jax.experimental.pallas import tpu_sc as plsc

_B = 1024
_F = 64
_N = 100000
_CBLK = 8192
_NBLK = (_N + _CBLK - 1) // _CBLK
_NPAD = _NBLK * _CBLK - _N
_NG = _CBLK // 128
_NEG = -3.0e38
_BIGI = 2**31 - 1


def _pack(v, negcol):
    i = lax.bitcast_convert_type(v, jnp.int32)
    f = i ^ (jnp.right_shift(i, 31) & 0x7FFFFFFF)
    return (f & ~(_CBLK - 1)) | negcol


def _unpack_val(k):
    f = k & ~(_CBLK - 1)
    i = f ^ (jnp.right_shift(f, 31) & 0x7FFFFFFF)
    return lax.bitcast_convert_type(i, jnp.float32)


def _tile_max(k):
    p = k[:, 0:128]
    for t in range(1, _CBLK // 128):
        p = jnp.maximum(p, k[:, t * 128:(t + 1) * 128])
    return p


def _main_body(x_ref, w_ref, stats_ref, idx_ref,
               m_s, z_s, s1_s, pred_s, v0_s, v1_s, v2_s, i0_s, i1_s, i2_s):
    blk = pl.program_id(0)

    @pl.when(blk == 0)
    def _():
        m_s[...] = jnp.full_like(m_s, _NEG)
        z_s[...] = jnp.zeros_like(z_s)
        s1_s[...] = jnp.zeros_like(s1_s)
        pred_s[...] = jnp.zeros_like(pred_s)
        v0_s[...] = jnp.full_like(v0_s, _NEG)
        v1_s[...] = jnp.full_like(v1_s, _NEG)
        v2_s[...] = jnp.full_like(v2_s, _NEG)
        i0_s[...] = jnp.zeros_like(i0_s)
        i1_s[...] = jnp.zeros_like(i1_s)
        i2_s[...] = jnp.zeros_like(i2_s)

    x = x_ref[...]
    w = w_ref[...]
    rowid = blk * _CBLK + lax.broadcasted_iota(jnp.int32, (_CBLK, _F), 0)
    w = jnp.where(rowid < _N, w, 0.0)

    L = lax.dot_general(x, w, (((1,), (1,)), ((), ())),
                        preferred_element_type=jnp.float32)

    e = jnp.exp(L)
    z_s[...] = z_s[...] + jnp.sum(e, axis=1, keepdims=True)
    s1_s[...] = s1_s[...] + jnp.sum(e * L, axis=1, keepdims=True)

    negcol = (_CBLK - 1) - lax.broadcasted_iota(jnp.int32, (_B, _CBLK), 1)
    bkL = jnp.max(_tile_max(_pack(L, negcol)), axis=1, keepdims=True)
    bm = _unpack_val(bkL)
    bc = blk * _CBLK + ((_CBLK - 1) - (bkL & (_CBLK - 1)))
    upd = bm > m_s[...]
    pred_s[...] = jnp.where(upd, bc, pred_s[...])
    m_s[...] = jnp.maximum(m_s[...], bm)

    p2 = jnp.sum(w * w, axis=1)[None, :]
    pks = _tile_max(_pack(L - 0.5 * p2, negcol))

    v0, v1, v2 = v0_s[...], v1_s[...], v2_s[...]
    i0, i1, i2 = i0_s[...], i1_s[...], i2_s[...]
    for _ in range(3):
        bk = jnp.max(pks, axis=1, keepdims=True)
        pks = jnp.where(pks == bk, -2**31, pks)
        bv = _unpack_val(bk)
        bi = blk * _CBLK + ((_CBLK - 1) - (bk & (_CBLK - 1)))
        gt0 = bv > v0
        gt1 = bv > v1
        gt2 = bv > v2
        v0, i0, v1, i1, v2, i2 = (
            jnp.where(gt0, bv, v0),
            jnp.where(gt0, bi, i0),
            jnp.where(gt0, v0, jnp.where(gt1, bv, v1)),
            jnp.where(gt0, i0, jnp.where(gt1, bi, i1)),
            jnp.where(gt0 | gt1, v1, jnp.where(gt2, bv, v2)),
            jnp.where(gt0 | gt1, i1, jnp.where(gt2, bi, i2)),
        )
    v0_s[...], v1_s[...], v2_s[...] = v0, v1, v2
    i0_s[...], i1_s[...], i2_s[...] = i0, i1, i2

    @pl.when(blk == _NBLK - 1)
    def _():
        zc = z_s[...] - jnp.float32(_NPAD)
        stats_ref[...] = jnp.concatenate(
            [m_s[...], zc, s1_s[...], jnp.zeros_like(zc)], axis=1)
        idx_ref[...] = jnp.concatenate(
            [pred_s[...], i0_s[...], i1_s[...], i2_s[...]], axis=1)


_main_call = pl.pallas_call(
    _main_body,
    grid=(_NBLK,),
    in_specs=[
        pl.BlockSpec((_B, _F), lambda i: (0, 0)),
        pl.BlockSpec((_CBLK, _F), lambda i: (i, 0)),
    ],
    out_specs=[
        pl.BlockSpec((_B, 4), lambda i: (0, 0)),
        pl.BlockSpec((_B, 4), lambda i: (0, 0)),
    ],
    out_shape=[
        jax.ShapeDtypeStruct((_B, 4), jnp.float32),
        jax.ShapeDtypeStruct((_B, 4), jnp.int32),
    ],
    scratch_shapes=(
        [pltpu.VMEM((_B, 1), jnp.float32) for _ in range(3)]
        + [pltpu.VMEM((_B, 1), jnp.int32)]
        + [pltpu.VMEM((_B, 1), jnp.float32) for _ in range(3)]
        + [pltpu.VMEM((_B, 1), jnp.int32) for _ in range(3)]
    ),
    compiler_params=pltpu.CompilerParams(
        dimension_semantics=("arbitrary",)),
)


@functools.lru_cache(maxsize=1)
def _make_sc_gather():
    info = plsc.get_sparse_core_info()
    nw = info.num_cores * info.num_subcores
    rpw = _B // nw

    mesh = plsc.VectorSubcoreMesh(core_axis_name="c", subcore_axis_name="s")

    @functools.partial(
        pl.kernel, mesh=mesh,
        out_type=[jax.ShapeDtypeStruct((_B, _F), jnp.float32)
                  for _ in range(3)]
        + [jax.ShapeDtypeStruct((_B, 16), jnp.float32)],
        scratch_types=[
            pltpu.VMEM((rpw,), jnp.int32),
            pltpu.VMEM((rpw, _F), jnp.float32),
            pltpu.VMEM((rpw, 16), jnp.float32),
            pltpu.SemaphoreType.DMA,
        ],
        compiler_params=pltpu.CompilerParams(use_tc_tiling_on_sc=False),
    )
    def sc_gather(w_hbm, th_hbm, c0_hbm, c1_hbm, c2_hbm, p_hbm,
                  o0, o1, o2, oth, idx_v, rows_v, th_v, sem):
        wid = lax.axis_index("s") * info.num_cores + lax.axis_index("c")
        base = wid * rpw
        for c_hbm, o_hbm in ((c0_hbm, o0), (c1_hbm, o1), (c2_hbm, o2)):
            pltpu.sync_copy(c_hbm.at[pl.ds(base, rpw)], idx_v)
            pltpu.async_copy(w_hbm.at[idx_v], rows_v, sem).wait()
            pltpu.sync_copy(rows_v, o_hbm.at[pl.ds(base, rpw)])
        pltpu.sync_copy(p_hbm.at[pl.ds(base, rpw)], idx_v)
        pltpu.async_copy(th_hbm.at[idx_v], th_v, sem).wait()
        pltpu.sync_copy(th_v, oth.at[pl.ds(base, rpw)])

    return sc_gather


def _epi_body(stats_ref, th_ref, x_ref, m0_ref, m1_ref, m2_ref, out_ref):
    st = stats_ref[...]
    m, z, s1 = st[:, 0:1], st[:, 1:2], st[:, 2:3]
    t = th_ref[...]
    x = x_ref[...]

    logz = jnp.log(z)
    ent_full = logz - s1 / z
    max_val = jnp.exp(m - logz)
    reliable = (max_val >= t).astype(jnp.float32)
    ent = reliable * ent_full + (1.0 - reliable) * jnp.log(jnp.float32(_N))

    def mahal(mu):
        diff = (x - mu) * (1.0 / 0.001)
        n = jnp.sqrt(jnp.sum(diff * diff, axis=1, keepdims=True))
        dn = diff / jnp.maximum(n, 1e-12)
        return jnp.sqrt(jnp.sum(dn * dn, axis=1, keepdims=True))

    d0 = mahal(m0_ref[...])
    d1 = mahal(m1_ref[...])
    d2 = mahal(m2_ref[...])
    min_d = jnp.minimum(jnp.minimum(d0, d1), d2)
    sims_min = jnp.exp(-min_d)
    sims_sum = jnp.exp(-d0) + jnp.exp(-d1) + jnp.exp(-d2)
    pcl = -jnp.log(sims_min / sims_sum)
    out_ref[...] = ent + pcl


_epi_call = pl.pallas_call(
    _epi_body,
    out_shape=jax.ShapeDtypeStruct((_B, 1), jnp.float32),
)


def kernel(x, classifier_weight, dynamic_threshs):
    w = classifier_weight
    stats, idx4 = _main_call(x, w)
    idx4 = jnp.minimum(idx4, _N - 1)
    c0, c1, c2, preds = idx4[:, 1], idx4[:, 2], idx4[:, 3], idx4[:, 0]
    th16 = jnp.broadcast_to(dynamic_threshs[:, None], (_N, 16))
    mu0, mu1, mu2, th_g = _make_sc_gather()(w, th16, c0, c1, c2, preds)
    out = _epi_call(stats, th_g[:, 0:1], x, mu0, mu1, mu2)
    return out.reshape(_B)

# --- scband reference (transcript-rebuilt; emitter-appended) ---
"""Pipeline reference for scband-shift-act-16484084483761 (READ-ONLY COPY).

The authoritative reference and input builder live on the scoring server;
editing this copy changes nothing except your own understanding.
"""

import jax, jax.numpy as jnp
import numpy as np

NUM_CLASSES = 100000
FEAT_DIM = 64
BATCH = 1024
INIT_THRESHOLD = 0.9
TRADE_OFF = 1.0


def setup_inputs(seed: int = 0) -> dict:
    key = jax.random.key(seed)
    k1, k2 = jax.random.split(key, 2)
    x = jax.random.normal(k1, (BATCH, FEAT_DIM), dtype=jnp.float32)
    # classifier weight doubles as source prototypes (as in initialize_state)
    classifier_weight = jax.random.normal(k2, (NUM_CLASSES, FEAT_DIM), dtype=jnp.float32) * 0.05
    dynamic_threshs = INIT_THRESHOLD * jnp.ones((NUM_CLASSES,), dtype=jnp.float32)
    return {"x": x, "classifier_weight": classifier_weight, "dynamic_threshs": dynamic_threshs}


def _softmax_entropy(logits):
    logp = jax.nn.log_softmax(logits, axis=1)
    p = jnp.exp(logp)
    return -(p * logp).sum(axis=1)


def reference(x, classifier_weight, dynamic_threshs):
    W = classifier_weight
    # forward_pass: featurizer output is x; classifier is linear (no bias)
    outputs = x @ W.T
    preds = jnp.argmax(outputs, axis=1)
    probs = jax.nn.softmax(outputs, axis=1)
    max_vals = probs.max(axis=1)
    # compute_entropy_loss: reliability mask gathered via dynamic_threshs[preds] (detached)
    mask_reliable = jax.lax.stop_gradient(
        (max_vals >= dynamic_threshs[preds]).astype(jnp.float32))
    ent = _softmax_entropy(outputs * mask_reliable[:, None])
    # compute_pcl_loss: initial state -> every class has <10 reliable samples,
    # so compute_gaussian_stats falls back to mu = source_protos, std = 0
    mu_classes = W
    std_classes = jnp.zeros_like(W)
    # get_distances euclidean == torch.cdist
    x2 = (x ** 2).sum(axis=1, keepdims=True)
    p2 = (W ** 2).sum(axis=1)[None, :]
    d2 = jnp.maximum(x2 + p2 - 2.0 * (x @ W.T), 0.0)
    original_dists = jnp.sqrt(d2)
    # top-3 smallest distances (kNN retrieval over 100k prototypes)
    _, candidate_idx = jax.lax.top_k(-original_dists, 3)
    mahalanobis = []
    for i in range(3):
        mu_i = jnp.take(mu_classes, candidate_idx[:, i], axis=0)
        std_i = jnp.take(std_classes, candidate_idx[:, i], axis=0)
        diff = (x - mu_i) / (std_i + 0.001)
        # F.normalize(dim=1) with eps=1e-12
        diff = diff / jnp.clip(jnp.linalg.norm(diff, axis=1, keepdims=True), 1e-12)
        mahalanobis.append(jnp.sqrt((diff ** 2).sum(axis=1)))
    mahalanobis = jnp.stack(mahalanobis, axis=1)
    min_dist = mahalanobis.min(axis=1)
    sims_min = jnp.exp(-min_dist)
    sims_sum = jnp.exp(-mahalanobis).sum(axis=1)
    pcl = -jnp.log(sims_min / sims_sum)
    # per-sample adaptation loss: ent + trade_off * pcl (mean-reduced in optimizer step)
    return ent + TRADE_OFF * pcl

if __name__ == "__main__":
    import jax
    _d = setup_inputs()
    print(jax.jit(kernel)(*tuple(_d.values())))

</pallas_src>

<mosaic_0001>
#map = affine_map<(d0, d1) -> (0, 0)>
#map1 = affine_map<(d0, d1) -> (0)>
module attributes {stable_mosaic.version = 14 : i64} {
  func.func @sc_gather(%arg0: i32, %arg1: i32, %arg2: memref<100000x64xf32, #tpu.memory_space<hbm>>, %arg3: memref<100000x16xf32, #tpu.memory_space<hbm>>, %arg4: memref<1024xi32, #tpu.memory_space<hbm>>, %arg5: memref<1024xi32, #tpu.memory_space<hbm>>, %arg6: memref<1024xi32, #tpu.memory_space<hbm>>, %arg7: memref<1024xi32, #tpu.memory_space<hbm>>, %arg8: memref<1024x64xf32, #tpu.memory_space<hbm>>, %arg9: memref<1024x64xf32, #tpu.memory_space<hbm>>, %arg10: memref<1024x64xf32, #tpu.memory_space<hbm>>, %arg11: memref<1024x16xf32, #tpu.memory_space<hbm>>, %arg12: memref<32xi32, #tpu.memory_space<vmem>>, %arg13: memref<32x64xf32, #tpu.memory_space<vmem>>, %arg14: memref<32x16xf32, #tpu.memory_space<vmem>>, %arg15: memref<!tpu.dma_semaphore, #tpu.memory_space<semaphore_mem>>) attributes {dimension_semantics = [#tpu.dimension_semantics<core_parallel>, #tpu.dimension_semantics<subcore_parallel>], iteration_bounds = array<i64: 2, 16>, scalar_prefetch = 0 : i64, scratch_operands = 4 : i64, tpu.core_type = #tpu.core_type<sc_vector_subcore>, window_params = [{transform_indices = #map}, {transform_indices = #map}, {transform_indices = #map1}, {transform_indices = #map1}, {transform_indices = #map1}, {transform_indices = #map1}, {transform_indices = #map}, {transform_indices = #map}, {transform_indices = #map}, {transform_indices = #map}]} {
    %mul3A = arith.constant 2 : i32
    %mul3A_0 = arith.muli %arg1, %mul3A : i32
    %add3A = arith.addi %mul3A_0, %arg0 : i32
    %mul3A_1 = arith.constant 32 : i32
    %mul3A_2 = arith.muli %add3A, %mul3A_1 : i32
    "tpu.region"() ({
      %run_scoped3A = tpu.sem_alloc : memref<!tpu.dma_semaphore, #tpu.memory_space<semaphore_mem>>
      %dma_start3A_25 = tpu.memref_slice %arg4[%mul3A_2] : memref<1024xi32, #tpu.memory_space<hbm>> -> memref<32xi32, #tpu.memory_space<hbm>>
      %dma_start3A_26 = tpu.memref_slice %arg4[%mul3A_2] : memref<1024xi32, #tpu.memory_space<hbm>> -> memref<32xi32, #tpu.memory_space<hbm>>
      tpu.enqueue_dma source(%dma_start3A_26 : memref<32xi32, #tpu.memory_space<hbm>>) target(%arg12 : memref<32xi32, #tpu.memory_space<vmem>>) target_semaphore(%run_scoped3A : memref<!tpu.dma_semaphore, #tpu.memory_space<semaphore_mem>>)
      %dma_wait3A_27 = tpu.memref_slice %arg4[%mul3A_2] : memref<1024xi32, #tpu.memory_space<hbm>> -> memref<32xi32, #tpu.memory_space<hbm>>
      %dma_wait3A_28 = tpu.memref_slice %arg4[%mul3A_2] : memref<1024xi32, #tpu.memory_space<hbm>> -> memref<32xi32, #tpu.memory_space<hbm>>
      tpu.wait_dma2 semaphore(%run_scoped3A : memref<!tpu.dma_semaphore, #tpu.memory_space<semaphore_mem>>) src(%dma_wait3A_28 : memref<32xi32, #tpu.memory_space<hbm>>) dst(%arg12 : memref<32xi32, #tpu.memory_space<vmem>>)
      tpu.yield
    }) : () -> ()
    %dma_start3A = arith.constant 0 : i32
    %dma_start3A_3 = arith.constant 0 : i32
    %dma_start3A_4 = tpu.memref_slice %arg2[%dma_start3A, %dma_start3A_3] : memref<100000x64xf32, #tpu.memory_space<hbm>> -> memref<100000x64xf32, #tpu.memory_space<hbm>>
    tpu.enqueue_indirect_dma source(%dma_start3A_4 : memref<100000x64xf32, #tpu.memory_space<hbm>>) target(%arg13 : memref<32x64xf32, #tpu.memory_space<vmem>>) offsets(%arg12 : memref<32xi32, #tpu.memory_space<vmem>>) semaphore(%arg15 : memref<!tpu.dma_semaphore, #tpu.memory_space<semaphore_mem>>)
    %dma_wait3A = arith.constant 0 : i32
    %dma_wait3A_5 = arith.constant 0 : i32
    %dma_wait3A_6 = tpu.memref_slice %arg2[%dma_wait3A, %dma_wait3A_5] : memref<100000x64xf32, #tpu.memory_space<hbm>> -> memref<100000x64xf32, #tpu.memory_space<hbm>>
    tpu.wait_indirect_dma semaphore(%arg15 : memref<!tpu.dma_semaphore, #tpu.memory_space<semaphore_mem>>) src(%dma_wait3A_6 : memref<100000x64xf32, #tpu.memory_space<hbm>>) dst(%arg13 : memref<32x64xf32, #tpu.memory_space<vmem>>)
    "tpu.region"() ({
      %run_scoped3A = tpu.sem_alloc : memref<!tpu.dma_semaphore, #tpu.memory_space<semaphore_mem>>
      %dma_start3A_25 = arith.constant 0 : i32
      %dma_start3A_26 = tpu.memref_slice %arg8[%mul3A_2, %dma_start3A_25] : memref<1024x64xf32, #tpu.memory_space<hbm>> -> memref<32x64xf32, #tpu.memory_space<hbm>>
      %dma_start3A_27 = arith.constant 0 : i32
      %dma_start3A_28 = tpu.memref_slice %arg8[%mul3A_2, %dma_start3A_27] : memref<1024x64xf32, #tpu.memory_space<hbm>> -> memref<32x64xf32, #tpu.memory_space<hbm>>
      tpu.enqueue_dma source(%arg13 : memref<32x64xf32, #tpu.memory_space<vmem>>) target(%dma_start3A_28 : memref<32x64xf32, #tpu.memory_space<hbm>>) target_semaphore(%run_scoped3A : memref<!tpu.dma_semaphore, #tpu.memory_space<semaphore_mem>>)
      %dma_wait3A_29 = arith.constant 0 : i32
      %dma_wait3A_30 = tpu.memref_slice %arg8[%mul3A_2, %dma_wait3A_29] : memref<1024x64xf32, #tpu.memory_space<hbm>> -> memref<32x64xf32, #tpu.memory_space<hbm>>
      %dma_wait3A_31 = arith.constant 0 : i32
      %dma_wait3A_32 = tpu.memref_slice %arg8[%mul3A_2, %dma_wait3A_31] : memref<1024x64xf32, #tpu.memory_space<hbm>> -> memref<32x64xf32, #tpu.memory_space<hbm>>
      tpu.wait_dma2 semaphore(%run_scoped3A : memref<!tpu.dma_semaphore, #tpu.memory_space<semaphore_mem>>) src(%arg13 : memref<32x64xf32, #tpu.memory_space<vmem>>) dst(%dma_wait3A_32 : memref<32x64xf32, #tpu.memory_space<hbm>>)
      tpu.yield
    }) : () -> ()
    "tpu.region"() ({
      %run_scoped3A = tpu.sem_alloc : memref<!tpu.dma_semaphore, #tpu.memory_space<semaphore_mem>>
      %dma_start3A_25 = tpu.memref_slice %arg5[%mul3A_2] : memref<1024xi32, #tpu.memory_space<hbm>> -> memref<32xi32, #tpu.memory_space<hbm>>
      %dma_start3A_26 = tpu.memref_slice %arg5[%mul3A_2] : memref<1024xi32, #tpu.memory_space<hbm>> -> memref<32xi32, #tpu.memory_space<hbm>>
      tpu.enqueue_dma source(%dma_start3A_26 : memref<32xi32, #tpu.memory_space<hbm>>) target(%arg12 : memref<32xi32, #tpu.memory_space<vmem>>) target_semaphore(%run_scoped3A : memref<!tpu.dma_semaphore, #tpu.memory_space<semaphore_mem>>)
      %dma_wait3A_27 = tpu.memref_slice %arg5[%mul3A_2] : memref<1024xi32, #tpu.memory_space<hbm>> -> memref<32xi32, #tpu.memory_space<hbm>>
      %dma_wait3A_28 = tpu.memref_slice %arg5[%mul3A_2] : memref<1024xi32, #tpu.memory_space<hbm>> -> memref<32xi32, #tpu.memory_space<hbm>>
      tpu.wait_dma2 semaphore(%run_scoped3A : memref<!tpu.dma_semaphore, #tpu.memory_space<semaphore_mem>>) src(%dma_wait3A_28 : memref<32xi32, #tpu.memory_space<hbm>>) dst(%arg12 : memref<32xi32, #tpu.memory_space<vmem>>)
      tpu.yield
    }) : () -> ()
    %dma_start3A_7 = arith.constant 0 : i32
    %dma_start3A_8 = arith.constant 0 : i32
    %dma_start3A_9 = tpu.memref_slice %arg2[%dma_start3A_7, %dma_start3A_8] : memref<100000x64xf32, #tpu.memory_space<hbm>> -> memref<100000x64xf32, #tpu.memory_space<hbm>>
    tpu.enqueue_indirect_dma source(%dma_start3A_9 : memref<100000x64xf32, #tpu.memory_space<hbm>>) target(%arg13 : memref<32x64xf32, #tpu.memory_space<vmem>>) offsets(%arg12 : memref<32xi32, #tpu.memory_space<vmem>>) semaphore(%arg15 : memref<!tpu.dma_semaphore, #tpu.memory_space<semaphore_mem>>)
    %dma_wait3A_10 = arith.constant 0 : i32
    %dma_wait3A_11 = arith.constant 0 : i32
    %dma_wait3A_12 = tpu.memref_slice %arg2[%dma_wait3A_10, %dma_wait3A_11] : memref<100000x64xf32, #tpu.memory_space<hbm>> -> memref<100000x64xf32, #tpu.memory_space<hbm>>
    tpu.wait_indirect_dma semaphore(%arg15 : memref<!tpu.dma_semaphore, #tpu.memory_space<semaphore_mem>>) src(%dma_wait3A_12 : memref<100000x64xf32, #tpu.memory_space<hbm>>) dst(%arg13 : memref<32x64xf32, #tpu.memory_space<vmem>>)
    "tpu.region"() ({
      %run_scoped3A = tpu.sem_alloc : memref<!tpu.dma_semaphore, #tpu.memory_space<semaphore_mem>>
      %dma_start3A_25 = arith.constant 0 : i32
      %dma_start3A_26 = tpu.memref_slice %arg9[%mul3A_2, %dma_start3A_25] : memref<1024x64xf32, #tpu.memory_space<hbm>> -> memref<32x64xf32, #tpu.memory_space<hbm>>
      %dma_start3A_27 = arith.constant 0 : i32
      %dma_start3A_28 = tpu.memref_slice %arg9[%mul3A_2, %dma_start3A_27] : memref<1024x64xf32, #tpu.memory_space<hbm>> -> memref<32x64xf32, #tpu.memory_space<hbm>>
      tpu.enqueue_dma source(%arg13 : memref<32x64xf32, #tpu.memory_space<vmem>>) target(%dma_start3A_28 : memref<32x64xf32, #tpu.memory_space<hbm>>) target_semaphore(%run_scoped3A : memref<!tpu.dma_semaphore, #tpu.memory_space<semaphore_mem>>)
      %dma_wait3A_29 = arith.constant 0 : i32
      %dma_wait3A_30 = tpu.memref_slice %arg9[%mul3A_2, %dma_wait3A_29] : memref<1024x64xf32, #tpu.memory_space<hbm>> -> memref<32x64xf32, #tpu.memory_space<hbm>>
      %dma_wait3A_31 = arith.constant 0 : i32
      %dma_wait3A_32 = tpu.memref_slice %arg9[%mul3A_2, %dma_wait3A_31] : memref<1024x64xf32, #tpu.memory_space<hbm>> -> memref<32x64xf32, #tpu.memory_space<hbm>>
      tpu.wait_dma2 semaphore(%run_scoped3A : memref<!tpu.dma_semaphore, #tpu.memory_space<semaphore_mem>>) src(%arg13 : memref<32x64xf32, #tpu.memory_space<vmem>>) dst(%dma_wait3A_32 : memref<32x64xf32, #tpu.memory_space<hbm>>)
      tpu.yield
    }) : () -> ()
    "tpu.region"() ({
      %run_scoped3A = tpu.sem_alloc : memref<!tpu.dma_semaphore, #tpu.memory_space<semaphore_mem>>
      %dma_start3A_25 = tpu.memref_slice %arg6[%mul3A_2] : memref<1024xi32, #tpu.memory_space<hbm>> -> memref<32xi32, #tpu.memory_space<hbm>>
      %dma_start3A_26 = tpu.memref_slice %arg6[%mul3A_2] : memref<1024xi32, #tpu.memory_space<hbm>> -> memref<32xi32, #tpu.memory_space<hbm>>
      tpu.enqueue_dma source(%dma_start3A_26 : memref<32xi32, #tpu.memory_space<hbm>>) target(%arg12 : memref<32xi32, #tpu.memory_space<vmem>>) target_semaphore(%run_scoped3A : memref<!tpu.dma_semaphore, #tpu.memory_space<semaphore_mem>>)
      %dma_wait3A_27 = tpu.memref_slice %arg6[%mul3A_2] : memref<1024xi32, #tpu.memory_space<hbm>> -> memref<32xi32, #tpu.memory_space<hbm>>
      %dma_wait3A_28 = tpu.memref_slice %arg6[%mul3A_2] : memref<1024xi32, #tpu.memory_space<hbm>> -> memref<32xi32, #tpu.memory_space<hbm>>
      tpu.wait_dma2 semaphore(%run_scoped3A : memref<!tpu.dma_semaphore, #tpu.memory_space<semaphore_mem>>) src(%dma_wait3A_28 : memref<32xi32, #tpu.memory_space<hbm>>) dst(%arg12 : memref<32xi32, #tpu.memory_space<vmem>>)
      tpu.yield
    }) : () -> ()
    %dma_start3A_13 = arith.constant 0 : i32
    %dma_start3A_14 = arith.constant 0 : i32
    %dma_start3A_15 = tpu.memref_slice %arg2[%dma_start3A_13, %dma_start3A_14] : memref<100000x64xf32, #tpu.memory_space<hbm>> -> memref<100000x64xf32, #tpu.memory_space<hbm>>
    tpu.enqueue_indirect_dma source(%dma_start3A_15 : memref<100000x64xf32, #tpu.memory_space<hbm>>) target(%arg13 : memref<32x64xf32, #tpu.memory_space<vmem>>) offsets(%arg12 : memref<32xi32, #tpu.memory_space<vmem>>) semaphore(%arg15 : memref<!tpu.dma_semaphore, #tpu.memory_space<semaphore_mem>>)
    %dma_wait3A_16 = arith.constant 0 : i32
    %dma_wait3A_17 = arith.constant 0 : i32
    %dma_wait3A_18 = tpu.memref_slice %arg2[%dma_wait3A_16, %dma_wait3A_17] : memref<100000x64xf32, #tpu.memory_space<hbm>> -> memref<100000x64xf32, #tpu.memory_space<hbm>>
    tpu.wait_indirect_dma semaphore(%arg15 : memref<!tpu.dma_semaphore, #tpu.memory_space<semaphore_mem>>) src(%dma_wait3A_18 : memref<100000x64xf32, #tpu.memory_space<hbm>>) dst(%arg13 : memref<32x64xf32, #tpu.memory_space<vmem>>)
    "tpu.region"() ({
      %run_scoped3A = tpu.sem_alloc : memref<!tpu.dma_semaphore, #tpu.memory_space<semaphore_mem>>
      %dma_start3A_25 = arith.constant 0 : i32
      %dma_start3A_26 = tpu.memref_slice %arg10[%mul3A_2, %dma_start3A_25] : memref<1024x64xf32, #tpu.memory_space<hbm>> -> memref<32x64xf32, #tpu.memory_space<hbm>>
      %dma_start3A_27 = arith.constant 0 : i32
      %dma_start3A_28 = tpu.memref_slice %arg10[%mul3A_2, %dma_start3A_27] : memref<1024x64xf32, #tpu.memory_space<hbm>> -> memref<32x64xf32, #tpu.memory_space<hbm>>
      tpu.enqueue_dma source(%arg13 : memref<32x64xf32, #tpu.memory_space<vmem>>) target(%dma_start3A_28 : memref<32x64xf32, #tpu.memory_space<hbm>>) target_semaphore(%run_scoped3A : memref<!tpu.dma_semaphore, #tpu.memory_space<semaphore_mem>>)
      %dma_wait3A_29 = arith.constant 0 : i32
      %dma_wait3A_30 = tpu.memref_slice %arg10[%mul3A_2, %dma_wait3A_29] : memref<1024x64xf32, #tpu.memory_space<hbm>> -> memref<32x64xf32, #tpu.memory_space<hbm>>
      %dma_wait3A_31 = arith.constant 0 : i32
      %dma_wait3A_32 = tpu.memref_slice %arg10[%mul3A_2, %dma_wait3A_31] : memref<1024x64xf32, #tpu.memory_space<hbm>> -> memref<32x64xf32, #tpu.memory_space<hbm>>
      tpu.wait_dma2 semaphore(%run_scoped3A : memref<!tpu.dma_semaphore, #tpu.memory_space<semaphore_mem>>) src(%arg13 : memref<32x64xf32, #tpu.memory_space<vmem>>) dst(%dma_wait3A_32 : memref<32x64xf32, #tpu.memory_space<hbm>>)
      tpu.yield
    }) : () -> ()
    "tpu.region"() ({
      %run_scoped3A = tpu.sem_alloc : memref<!tpu.dma_semaphore, #tpu.memory_space<semaphore_mem>>
      %dma_start3A_25 = tpu.memref_slice %arg7[%mul3A_2] : memref<1024xi32, #tpu.memory_space<hbm>> -> memref<32xi32, #tpu.memory_space<hbm>>
      %dma_start3A_26 = tpu.memref_slice %arg7[%mul3A_2] : memref<1024xi32, #tpu.memory_space<hbm>> -> memref<32xi32, #tpu.memory_space<hbm>>
      tpu.enqueue_dma source(%dma_start3A_26 : memref<32xi32, #tpu.memory_space<hbm>>) target(%arg12 : memref<32xi32, #tpu.memory_space<vmem>>) target_semaphore(%run_scoped3A : memref<!tpu.dma_semaphore, #tpu.memory_space<semaphore_mem>>)
      %dma_wait3A_27 = tpu.memref_slice %arg7[%mul3A_2] : memref<1024xi32, #tpu.memory_space<hbm>> -> memref<32xi32, #tpu.memory_space<hbm>>
      %dma_wait3A_28 = tpu.memref_slice %arg7[%mul3A_2] : memref<1024xi32, #tpu.memory_space<hbm>> -> memref<32xi32, #tpu.memory_space<hbm>>
      tpu.wait_dma2 semaphore(%run_scoped3A : memref<!tpu.dma_semaphore, #tpu.memory_space<semaphore_mem>>) src(%dma_wait3A_28 : memref<32xi32, #tpu.memory_space<hbm>>) dst(%arg12 : memref<32xi32, #tpu.memory_space<vmem>>)
      tpu.yield
    }) : () -> ()
    %dma_start3A_19 = arith.constant 0 : i32
    %dma_start3A_20 = arith.constant 0 : i32
    %dma_start3A_21 = tpu.memref_slice %arg3[%dma_start3A_19, %dma_start3A_20] : memref<100000x16xf32, #tpu.memory_space<hbm>> -> memref<100000x16xf32, #tpu.memory_space<hbm>>
    tpu.enqueue_indirect_dma source(%dma_start3A_21 : memref<100000x16xf32, #tpu.memory_space<hbm>>) target(%arg14 : memref<32x16xf32, #tpu.memory_space<vmem>>) offsets(%arg12 : memref<32xi32, #tpu.memory_space<vmem>>) semaphore(%arg15 : memref<!tpu.dma_semaphore, #tpu.memory_space<semaphore_mem>>)
    %dma_wait3A_22 = arith.constant 0 : i32
    %dma_wait3A_23 = arith.constant 0 : i32
    %dma_wait3A_24 = tpu.memref_slice %arg3[%dma_wait3A_22, %dma_wait3A_23] : memref<100000x16xf32, #tpu.memory_space<hbm>> -> memref<100000x16xf32, #tpu.memory_space<hbm>>
    tpu.wait_indirect_dma semaphore(%arg15 : memref<!tpu.dma_semaphore, #tpu.memory_space<semaphore_mem>>) src(%dma_wait3A_24 : memref<100000x16xf32, #tpu.memory_space<hbm>>) dst(%arg14 : memref<32x16xf32, #tpu.memory_space<vmem>>)
    "tpu.region"() ({
      %run_scoped3A = tpu.sem_alloc : memref<!tpu.dma_semaphore, #tpu.memory_space<semaphore_mem>>
      %dma_start3A_25 = arith.constant 0 : i32
      %dma_start3A_26 = tpu.memref_slice %arg11[%mul3A_2, %dma_start3A_25] : memref<1024x16xf32, #tpu.memory_space<hbm>> -> memref<32x16xf32, #tpu.memory_space<hbm>>
      %dma_start3A_27 = arith.constant 0 : i32
      %dma_start3A_28 = tpu.memref_slice %arg11[%mul3A_2, %dma_start3A_27] : memref<1024x16xf32, #tpu.memory_space<hbm>> -> memref<32x16xf32, #tpu.memory_space<hbm>>
      tpu.enqueue_dma source(%arg14 : memref<32x16xf32, #tpu.memory_space<vmem>>) target(%dma_start3A_28 : memref<32x16xf32, #tpu.memory_space<hbm>>) target_semaphore(%run_scoped3A : memref<!tpu.dma_semaphore, #tpu.memory_space<semaphore_mem>>)
      %dma_wait3A_29 = arith.constant 0 : i32
      %dma_wait3A_30 = tpu.memref_slice %arg11[%mul3A_2, %dma_wait3A_29] : memref<1024x16xf32, #tpu.memory_space<hbm>> -> memref<32x16xf32, #tpu.memory_space<hbm>>
      %dma_wait3A_31 = arith.constant 0 : i32
      %dma_wait3A_32 = tpu.memref_slice %arg11[%mul3A_2, %dma_wait3A_31] : memref<1024x16xf32, #tpu.memory_space<hbm>> -> memref<32x16xf32, #tpu.memory_space<hbm>>
      tpu.wait_dma2 semaphore(%run_scoped3A : memref<!tpu.dma_semaphore, #tpu.memory_space<semaphore_mem>>) src(%arg14 : memref<32x16xf32, #tpu.memory_space<vmem>>) dst(%dma_wait3A_32 : memref<32x16xf32, #tpu.memory_space<hbm>>)
      tpu.yield
    }) : () -> ()
    return
  }
}

module attributes {stable_mosaic.version = 14 : i64} {
  func.func @_main_body(%arg0: i32, %arg1: memref<1024x64xf32, #tpu.memory_space<vmem>>, %arg2: memref<8192x64xf32, #tpu.memory_space<vmem>>, %arg3: memref<1024x4xf32, #tpu.memory_space<vmem>>, %arg4: memref<1024x4xi32, #tpu.memory_space<vmem>>, %arg5: memref<1024x1xf32, #tpu.memory_space<vmem>>, %arg6: memref<1024x1xf32, #tpu.memory_space<vmem>>, %arg7: memref<1024x1xf32, #tpu.memory_space<vmem>>, %arg8: memref<1024x1xi32, #tpu.memory_space<vmem>>, %arg9: memref<1024x1xf32, #tpu.memory_space<vmem>>, %arg10: memref<1024x1xf32, #tpu.memory_space<vmem>>, %arg11: memref<1024x1xf32, #tpu.memory_space<vmem>>, %arg12: memref<1024x1xi32, #tpu.memory_space<vmem>>, %arg13: memref<1024x1xi32, #tpu.memory_space<vmem>>, %arg14: memref<1024x1xi32, #tpu.memory_space<vmem>>) attributes {dimension_semantics = [#tpu.dimension_semantics<arbitrary>], iteration_bounds = array<i64: 13>, scalar_prefetch = 0 : i64, scratch_operands = 10 : i64, tpu.core_type = #tpu.core_type<tc>, window_params = [{pipeline_mode = #tpu.pipeline_mode<synchronous>, transform_indices = @transform_0, window_bounds = array<i64: 1024, 64>}, {transform_indices = @transform_1, window_bounds = array<i64: 8192, 64>}, {pipeline_mode = #tpu.pipeline_mode<synchronous>, transform_indices = @transform_2, window_bounds = array<i64: 1024, 4>}, {pipeline_mode = #tpu.pipeline_mode<synchronous>, transform_indices = @transform_3, window_bounds = array<i64: 1024, 4>}]} {
    %eq3A = arith.constant 0 : i32
    %eq3A_0 = arith.cmpi eq, %arg0, %eq3A : i32
    %convert_element_type3A = arith.extui %eq3A_0 : i1 to i32
    %cond3A = arith.constant 0 : i32
    %cond3A_1 = arith.cmpi ne, %convert_element_type3A, %cond3A : i32
    scf.if %cond3A_1 {
      %broadcast_in_dim3A_522 = arith.constant -3.000000e+38 : f32
      %broadcast_in_dim3A_523 = vector.broadcast %broadcast_in_dim3A_522 : f32 to vector<1024x1xf32>
      %swap3A_524 = arith.constant 0 : index
      %swap3A_525 = arith.constant 0 : index
      %swap3A_526 = vector.load %arg5[%swap3A_524, %swap3A_525] : memref<1024x1xf32, #tpu.memory_space<vmem>>, vector<1024x1xf32>
      tpu.vector_store %arg5[%swap3A_524, %swap3A_525], %broadcast_in_dim3A_523 {strides = array<i32>} : memref<1024x1xf32, #tpu.memory_space<vmem>>, vector<1024x1xf32>,
      %broadcast_in_dim3A_527 = arith.constant 0.000000e+00 : f32
      %broadcast_in_dim3A_528 = vector.broadcast %broadcast_in_dim3A_527 : f32 to vector<1024x1xf32>
      %swap3A_529 = arith.constant 0 : index
      %swap3A_530 = arith.constant 0 : index
      %swap3A_531 = vector.load %arg6[%swap3A_529, %swap3A_530] : memref<1024x1xf32, #tpu.memory_space<vmem>>, vector<1024x1xf32>
      tpu.vector_store %arg6[%swap3A_529, %swap3A_530], %broadcast_in_dim3A_528 {strides = array<i32>} : memref<1024x1xf32, #tpu.memory_space<vmem>>, vector<1024x1xf32>,
      %broadcast_in_dim3A_532 = arith.constant 0.000000e+00 : f32
      %broadcast_in_dim3A_533 = vector.broadcast %broadcast_in_dim3A_532 : f32 to vector<1024x1xf32>
      %swap3A_534 = arith.constant 0 : index
      %swap3A_535 = arith.constant 0 : index
      %swap3A_536 = vector.load %arg7[%swap3A_534, %swap3A_535] : memref<1024x1xf32, #tpu.memory_space<vmem>>, vector<1024x1xf32>
      tpu.vector_store %arg7[%swap3A_534, %swap3A_535], %broadcast_in_dim3A_533 {strides = array<i32>} : memref<1024x1xf32, #tpu.memory_space<vmem>>, vector<1024x1xf32>,
      %broadcast_in_dim3A_537 = arith.constant 0 : i32
      %broadcast_in_dim3A_538 = vector.broadcast %broadcast_in_dim3A_537 : i32 to vector<1024x1xi32>
      %swap3A_539 = arith.constant 0 : index
      %swap3A_540 = arith.constant 0 : index
      %swap3A_541 = vector.load %arg8[%swap3A_539, %swap3A_540] : memref<1024x1xi32, #tpu.memory_space<vmem>>, vector<1024x1xi32>
      tpu.vector_store %arg8[%swap3A_539, %swap3A_540], %broadcast_in_dim3A_538 {strides = array<i32>} : memref<1024x1xi32, #tpu.memory_space<vmem>>, vector<1024x1xi32>,
      %broadcast_in_dim3A_542 = arith.constant -3.000000e+38 : f32
      %broadcast_in_dim3A_543 = vector.broadcast %broadcast_in_dim3A_542 : f32 to vector<1024x1xf32>
      %swap3A_544 = arith.constant 0 : index
      %swap3A_545 = arith.constant 0 : index
      %swap3A_546 = vector.load %arg9[%swap3A_544, %swap3A_545] : memref<1024x1xf32, #tpu.memory_space<vmem>>, vector<1024x1xf32>
      tpu.vector_store %arg9[%swap3A_544, %swap3A_545], %broadcast_in_dim3A_543 {strides = array<i32>} : memref<1024x1xf32, #tpu.memory_space<vmem>>, vector<1024x1xf32>,
      %broadcast_in_dim3A_547 = arith.constant -3.000000e+38 : f32
      %broadcast_in_dim3A_548 = vector.broadcast %broadcast_in_dim3A_547 : f32 to vector<1024x1xf32>
      %swap3A_549 = arith.constant 0 : index
      %swap3A_550 = arith.constant 0 : index
      %swap3A_551 = vector.load %arg10[%swap3A_549, %swap3A_550] : memref<1024x1xf32, #tpu.memory_space<vmem>>, vector<1024x1xf32>
      tpu.vector_store %arg10[%swap3A_549, %swap3A_550], %broadcast_in_dim3A_548 {strides = array<i32>} : memref<1024x1xf32, #tpu.memory_space<vmem>>, vector<1024x1xf32>,
      %broadcast_in_dim3A_552 = arith.constant -3.000000e+38 : f32
      %broadcast_in_dim3A_553 = vector.broadcast %broadcast_in_dim3A_552 : f32 to vector<1024x1xf32>
      %swap3A_554 = arith.constant 0 : index
      %swap3A_555 = arith.constant 0 : index
      %swap3A_556 = vector.load %arg11[%swap3A_554, %swap3A_555] : memref<1024x1xf32, #tpu.memory_space<vmem>>, vector<1024x1xf32>
      tpu.vector_store %arg11[%swap3A_554, %swap3A_555], %broadcast_in_dim3A_553 {strides = array<i32>} : memref<1024x1xf32, #tpu.memory_space<vmem>>, vector<1024x1xf32>,
      %broadcast_in_dim3A_557 = arith.constant 0 : i32
      %broadcast_in_dim3A_558 = vector.broadcast %broadcast_in_dim3A_557 : i32 to vector<1024x1xi32>
      %swap3A_559 = arith.constant 0 : index
      %swap3A_560 = arith.constant 0 : index
      %swap3A_561 = vector.load %arg12[%swap3A_559, %swap3A_560] : memref<1024x1xi32, #tpu.memory_space<vmem>>, vector<1024x1xi32>
      tpu.vector_store %arg12[%swap3A_559, %swap3A_560], %broadcast_in_dim3A_558 {strides = array<i32>} : memref<1024x1xi32, #tpu.memory_space<vmem>>, vector<1024x1xi32>,
      %broadcast_in_dim3A_562 = arith.constant 0 : i32
      %broadcast_in_dim3A_563 = vector.broadcast %broadcast_in_dim3A_562 : i32 to vector<1024x1xi32>
      %swap3A_564 = arith.constant 0 : index
      %swap3A_565 = arith.constant 0 : index
      %swap3A_566 = vector.load %arg13[%swap3A_564, %swap3A_565] : memref<1024x1xi32, #tpu.memory_space<vmem>>, vector<1024x1xi32>
      tpu.vector_store %arg13[%swap3A_564, %swap3A_565], %broadcast_in_dim3A_563 {strides = array<i32>} : memref<1024x1xi32, #tpu.memory_space<vmem>>, vector<1024x1xi32>,
      %broadcast_in_dim3A_567 = arith.constant 0 : i32
      %broadcast_in_dim3A_568 = vector.broadcast %broadcast_in_dim3A_567 : i32 to vector<1024x1xi32>
      %swap3A_569 = arith.constant 0 : index
      %swap3A_570 = arith.constant 0 : index
      %swap3A_571 = vector.load %arg14[%swap3A_569, %swap3A_570] : memref<1024x1xi32, #tpu.memory_space<vmem>>, vector<1024x1xi32>
      tpu.vector_store %arg14[%swap3A_569, %swap3A_570], %broadcast_in_dim3A_568 {strides = array<i32>} : memref<1024x1xi32, #tpu.memory_space<vmem>>, vector<1024x1xi32>,
    } else {
    }
    %get3A = arith.constant 0 : index
    %get3A_2 = arith.constant 0 : index
    %get3A_3 = vector.load %arg1[%get3A, %get3A_2] : memref<1024x64xf32, #tpu.memory_space<vmem>>, vector<1024x64xf32>
    %get3A_4 = arith.constant 0 : index
    %get3A_5 = arith.constant 0 : index
    %get3A_6 = vector.load %arg2[%get3A_4, %get3A_5] : memref<8192x64xf32, #tpu.memory_space<vmem>>, vector<8192x64xf32>
    %mul3A = arith.constant 8192 : i32
    %mul3A_7 = arith.muli %arg0, %mul3A : i32
    %iota3A = tpu.iota {dimensions = array<i32: 0>} : vector<8192x64xi32>
    %add3A = vector.broadcast %mul3A_7 : i32 to vector<8192x64xi32>
    %add3A_8 = arith.addi %add3A, %iota3A : vector<8192x64xi32>
    %lt3A = arith.constant 100000 : i32
    %lt3A_9 = vector.broadcast %lt3A : i32 to vector<8192x64xi32>
    %lt3A_10 = arith.cmpi slt, %add3A_8, %lt3A_9 : vector<8192x64xi32>
    %jit3A = arith.constant 0.000000e+00 : f32
    %broadcast_in_dim3A = vector.broadcast %jit3A : f32 to vector<8192x64xf32>
    %select_n3A = arith.select %lt3A_10, %get3A_6, %broadcast_in_dim3A : vector<8192x64xi1>, vector<8192x64xf32>
    %dot_general3A = arith.constant dense<0.000000e+00> : vector<1024x8192xf32>
    %dot_general3A_11 = tpu.matmul %get3A_3, %select_n3A, %dot_general3A {dimension_numbers = #tpu.dot_dimension_numbers<[1], [1], [0], [0], [0, 0, 1, 0], [], []>, transpose_lhs_hint = false} : vector<1024x64xf32>, vector<8192x64xf32>, vector<1024x8192xf32> -> vector<1024x8192xf32>
    %exp3A = math.exp %dot_general3A_11 : vector<1024x8192xf32>
    %get3A_12 = arith.constant 0 : index
    %get3A_13 = arith.constant 0 : index
    %get3A_14 = vector.load %arg6[%get3A_12, %get3A_13] : memref<1024x1xf32, #tpu.memory_space<vmem>>, vector<1024x1xf32>
    %reduce_sum3A = arith.constant dense<0.000000e+00> : vector<1024xf32>
    %reduce_sum3A_15 = vector.multi_reduction <add>, %exp3A, %reduce_sum3A [1] : vector<1024x8192xf32> to vector<1024xf32>
    %broadcast_in_dim3A_16 = vector.shape_cast %reduce_sum3A_15 : vector<1024xf32> to vector<1024x1xf32>
    %add3A_17 = arith.addf %get3A_14, %broadcast_in_dim3A_16 : vector<1024x1xf32>
    %swap3A = arith.constant 0 : index
    %swap3A_18 = arith.constant 0 : index
    %swap3A_19 = vector.load %arg6[%swap3A, %swap3A_18] : memref<1024x1xf32, #tpu.memory_space<vmem>>, vector<1024x1xf32>
    tpu.vector_store %arg6[%swap3A, %swap3A_18], %add3A_17 {strides = array<i32>} : memref<1024x1xf32, #tpu.memory_space<vmem>>, vector<1024x1xf32>,
    %get3A_20 = arith.constant 0 : index
    %get3A_21 = arith.constant 0 : index
    %get3A_22 = vector.load %arg7[%get3A_20, %get3A_21] : memref<1024x1xf32, #tpu.memory_space<vmem>>, vector<1024x1xf32>
    %mul3A_23 = arith.mulf %exp3A, %dot_general3A_11 : vector<1024x8192xf32>
    %reduce_sum3A_24 = arith.constant dense<0.000000e+00> : vector<1024xf32>
    %reduce_sum3A_25 = vector.multi_reduction <add>, %mul3A_23, %reduce_sum3A_24 [1] : vector<1024x8192xf32> to vector<1024xf32>
    %broadcast_in_dim3A_26 = vector.shape_cast %reduce_sum3A_25 : vector<1024xf32> to vector<1024x1xf32>
    %add3A_27 = arith.addf %get3A_22, %broadcast_in_dim3A_26 : vector<1024x1xf32>
    %swap3A_28 = arith.constant 0 : index
    %swap3A_29 = arith.constant 0 : index
    %swap3A_30 = vector.load %arg7[%swap3A_28, %swap3A_29] : memref<1024x1xf32, #tpu.memory_space<vmem>>, vector<1024x1xf32>
    tpu.vector_store %arg7[%swap3A_28, %swap3A_29], %add3A_27 {strides = array<i32>} : memref<1024x1xf32, #tpu.memory_space<vmem>>, vector<1024x1xf32>,
    %iota3A_31 = tpu.iota {dimensions = array<i32: 1>} : vector<1024x8192xi32>
    %sub3A = arith.constant 8191 : i32
    %sub3A_32 = vector.broadcast %sub3A : i32 to vector<1024x8192xi32>
    %sub3A_33 = arith.subi %sub3A_32, %iota3A_31 : vector<1024x8192xi32>
    %bitcast_convert_type3A = tpu.bitcast %dot_general3A_11 : vector<1024x8192xf32> -> vector<1024x8192xi32>
    %shift_right_arithmetic3A = arith.constant 31 : i32
    %shift_right_arithmetic3A_34 = vector.broadcast %shift_right_arithmetic3A : i32 to vector<1024x8192xi32>
    %shift_right_arithmetic3A_35 = arith.shrsi %bitcast_convert_type3A, %shift_right_arithmetic3A_34 : vector<1024x8192xi32>
    %and3A = arith.constant 2147483647 : i32
    %and3A_36 = vector.broadcast %and3A : i32 to vector<1024x8192xi32>
    %and3A_37 = arith.andi %shift_right_arithmetic3A_35, %and3A_36 : vector<1024x8192xi32>
    %xor3A = arith.xori %bitcast_convert_type3A, %and3A_37 : vector<1024x8192xi32>
    %and3A_38 = arith.constant -8192 : i32
    %and3A_39 = vector.broadcast %and3A_38 : i32 to vector<1024x8192xi32>
    %and3A_40 = arith.andi %xor3A, %and3A_39 : vector<1024x8192xi32>
    %or3A = arith.ori %and3A_40, %sub3A_33 : vector<1024x8192xi32>
    %slice3A = vector.extract_strided_slice %or3A {offsets = [0, 0], sizes = [1024, 128], strides = [1, 1]} : vector<1024x8192xi32> to vector<1024x128xi32>
    %slice3A_41 = vector.extract_strided_slice %or3A {offsets = [0, 128], sizes = [1024, 128], strides = [1, 1]} : vector<1024x8192xi32> to vector<1024x128xi32>
    %max3A = arith.maxsi %slice3A, %slice3A_41 : vector<1024x128xi32>
    %slice3A_42 = vector.extract_strided_slice %or3A {offsets = [0, 256], sizes = [1024, 128], strides = [1, 1]} : vector<1024x8192xi32> to vector<1024x128xi32>
    %max3A_43 = arith.maxsi %max3A, %slice3A_42 : vector<1024x128xi32>
    %slice3A_44 = vector.extract_strided_slice %or3A {offsets = [0, 384], sizes = [1024, 128], strides = [1, 1]} : vector<1024x8192xi32> to vector<1024x128xi32>
    %max3A_45 = arith.maxsi %max3A_43, %slice3A_44 : vector<1024x128xi32>
    %slice3A_46 = vector.extract_strided_slice %or3A {offsets = [0, 512], sizes = [1024, 128], strides = [1, 1]} : vector<1024x8192xi32> to vector<1024x128xi32>
    %max3A_47 = arith.maxsi %max3A_45, %slice3A_46 : vector<1024x128xi32>
    %slice3A_48 = vector.extract_strided_slice %or3A {offsets = [0, 640], sizes = [1024, 128], strides = [1, 1]} : vector<1024x8192xi32> to vector<1024x128xi32>
    %max3A_49 = arith.maxsi %max3A_47, %slice3A_48 : vector<1024x128xi32>
    %slice3A_50 = vector.extract_strided_slice %or3A {offsets = [0, 768], sizes = [1024, 128], strides = [1, 1]} : vector<1024x8192xi32> to vector<1024x128xi32>
    %max3A_51 = arith.maxsi %max3A_49, %slice3A_50 : vector<1024x128xi32>
    %slice3A_52 = vector.extract_strided_slice %or3A {offsets = [0, 896], sizes = [1024, 128], strides = [1, 1]} : vector<1024x8192xi32> to vector<1024x128xi32>
    %max3A_53 = arith.maxsi %max3A_51, %slice3A_52 : vector<1024x128xi32>
    %slice3A_54 = vector.extract_strided_slice %or3A {offsets = [0, 1024], sizes = [1024, 128], strides = [1, 1]} : vector<1024x8192xi32> to vector<1024x128xi32>
    %max3A_55 = arith.maxsi %max3A_53, %slice3A_54 : vector<1024x128xi32>
    %slice3A_56 = vector.extract_strided_slice %or3A {offsets = [0, 1152], sizes = [1024, 128], strides = [1, 1]} : vector<1024x8192xi32> to vector<1024x128xi32>
    %max3A_57 = arith.maxsi %max3A_55, %slice3A_56 : vector<1024x128xi32>
    %slice3A_58 = vector.extract_strided_slice %or3A {offsets = [0, 1280], sizes = [1024, 128], strides = [1, 1]} : vector<1024x8192xi32> to vector<1024x128xi32>
    %max3A_59 = arith.maxsi %max3A_57, %slice3A_58 : vector<1024x128xi32>
    %slice3A_60 = vector.extract_strided_slice %or3A {offsets = [0, 1408], sizes = [1024, 128], strides = [1, 1]} : vector<1024x8192xi32> to vector<1024x128xi32>
    %max3A_61 = arith.maxsi %max3A_59, %slice3A_60 : vector<1024x128xi32>
    %slice3A_62 = vector.extract_strided_slice %or3A {offsets = [0, 1536], sizes = [1024, 128], strides = [1, 1]} : vector<1024x8192xi32> to vector<1024x128xi32>
    %max3A_63 = arith.maxsi %max3A_61, %slice3A_62 : vector<1024x128xi32>
    %slice3A_64 = vector.extract_strided_slice %or3A {offsets = [0, 1664], sizes = [1024, 128], strides = [1, 1]} : vector<1024x8192xi32> to vector<1024x128xi32>
    %max3A_65 = arith.maxsi %max3A_63, %slice3A_64 : vector<1024x128xi32>
    %slice3A_66 = vector.extract_strided_slice %or3A {offsets = [0, 1792], sizes = [1024, 128], strides = [1, 1]} : vector<1024x8192xi32> to vector<1024x128xi32>
    %max3A_67 = arith.maxsi %max3A_65, %slice3A_66 : vector<1024x128xi32>
    %slice3A_68 = vector.extract_strided_slice %or3A {offsets = [0, 1920], sizes = [1024, 128], strides = [1, 1]} : vector<1024x8192xi32> to vector<1024x128xi32>
    %max3A_69 = arith.maxsi %max3A_67, %slice3A_68 : vector<1024x128xi32>
    %slice3A_70 = vector.extract_strided_slice %or3A {offsets = [0, 2048], sizes = [1024, 128], strides = [1, 1]} : vector<1024x8192xi32> to vector<1024x128xi32>
    %max3A_71 = arith.maxsi %max3A_69, %slice3A_70 : vector<1024x128xi32>
    %slice3A_72 = vector.extract_strided_slice %or3A {offsets = [0, 2176], sizes = [1024, 128], strides = [1, 1]} : vector<1024x8192xi32> to vector<1024x128xi32>
    %max3A_73 = arith.maxsi %max3A_71, %slice3A_72 : vector<1024x128xi32>
    %slice3A_74 = vector.extract_strided_slice %or3A {offsets = [0, 2304], sizes = [1024, 128], strides = [1, 1]} : vector<1024x8192xi32> to vector<1024x128xi32>
    %max3A_75 = arith.maxsi %max3A_73, %slice3A_74 : vector<1024x128xi32>
    %slice3A_76 = vector.extract_strided_slice %or3A {offsets = [0, 2432], sizes = [1024, 128], strides = [1, 1]} : vector<1024x8192xi32> to vector<1024x128xi32>
    %max3A_77 = arith.maxsi %max3A_75, %slice3A_76 : vector<1024x128xi32>
    %slice3A_78 = vector.extract_strided_slice %or3A {offsets = [0, 2560], sizes = [1024, 128], strides = [1, 1]} : vector<1024x8192xi32> to vector<1024x128xi32>
    %max3A_79 = arith.maxsi %max3A_77, %slice3A_78 : vector<1024x128xi32>
    %slice3A_80 = vector.extract_strided_slice %or3A {offsets = [0, 2688], sizes = [1024, 128], strides = [1, 1]} : vector<1024x8192xi32> to vector<1024x128xi32>
    %max3A_81 = arith.maxsi %max3A_79, %slice3A_80 : vector<1024x128xi32>
    %slice3A_82 = vector.extract_strided_slice %or3A {offsets = [0, 2816], sizes = [1024, 128], strides = [1, 1]} : vector<1024x8192xi32> to vector<1024x128xi32>
    %max3A_83 = arith.maxsi %max3A_81, %slice3A_82 : vector<1024x128xi32>
    %slice3A_84 = vector.extract_strided_slice %or3A {offsets = [0, 2944], sizes = [1024, 128], strides = [1, 1]} : vector<1024x8192xi32> to vector<1024x128xi32>
    %max3A_85 = arith.maxsi %max3A_83, %slice3A_84 : vector<1024x128xi32>
    %slice3A_86 = vector.extract_strided_slice %or3A {offsets = [0, 3072], sizes = [1024, 128], strides = [1, 1]} : vector<1024x8192xi32> to vector<1024x128xi32>
    %max3A_87 = arith.maxsi %max3A_85, %slice3A_86 : vector<1024x128xi32>
    %slice3A_88 = vector.extract_strided_slice %or3A {offsets = [0, 3200], sizes = [1024, 128], strides = [1, 1]} : vector<1024x8192xi32> to vector<1024x128xi32>
    %max3A_89 = arith.maxsi %max3A_87, %slice3A_88 : vector<1024x128xi32>
    %slice3A_90 = vector.extract_strided_slice %or3A {offsets = [0, 3328], sizes = [1024, 128], strides = [1, 1]} : vector<1024x8192xi32> to vector<1024x128xi32>
    %max3A_91 = arith.maxsi %max3A_89, %slice3A_90 : vector<1024x128xi32>
    %slice3A_92 = vector.extract_strided_slice %or3A {offsets = [0, 3456], sizes = [1024, 128], strides = [1, 1]} : vector<1024x8192xi32> to vector<1024x128xi32>
    %max3A_93 = arith.maxsi %max3A_91, %slice3A_92 : vector<1024x128xi32>
    %slice3A_94 = vector.extract_strided_slice %or3A {offsets = [0, 3584], sizes = [1024, 128], strides = [1, 1]} : vector<1024x8192xi32> to vector<1024x128xi32>
    %max3A_95 = arith.maxsi %max3A_93, %slice3A_94 : vector<1024x128xi32>
    %slice3A_96 = vector.extract_strided_slice %or3A {offsets = [0, 3712], sizes = [1024, 128], strides = [1, 1]} : vector<1024x8192xi32> to vector<1024x128xi32>
    %max3A_97 = arith.maxsi %max3A_95, %slice3A_96 : vector<1024x128xi32>
    %slice3A_98 = vector.extract_strided_slice %or3A {offsets = [0, 3840], sizes = [1024, 128], strides = [1, 1]} : vector<1024x8192xi32> to vector<1024x128xi32>
    %max3A_99 = arith.maxsi %max3A_97, %slice3A_98 : vector<1024x128xi32>
    %slice3A_100 = vector.extract_strided_slice %or3A {offsets = [0, 3968], sizes = [1024, 128], strides = [1, 1]} : vector<1024x8192xi32> to vector<1024x128xi32>
    %max3A_101 = arith.maxsi %max3A_99, %slice3A_100 : vector<1024x128xi32>
    %slice3A_102 = vector.extract_strided_slice %or3A {offsets = [0, 4096], sizes = [1024, 128], strides = [1, 1]} : vector<1024x8192xi32> to vector<1024x128xi32>
    %max3A_103 = arith.maxsi %max3A_101, %slice3A_102 : vector<1024x128xi32>
    %slice3A_104 = vector.extract_strided_slice %or3A {offsets = [0, 4224], sizes = [1024, 128], strides = [1, 1]} : vector<1024x8192xi32> to vector<1024x128xi32>
    %max3A_105 = arith.maxsi %max3A_103, %slice3A_104 : vector<1024x128xi32>
    %slice3A_106 = vector.extract_strided_slice %or3A {offsets = [0, 4352], sizes = [1024, 128], strides = [1, 1]} : vector<1024x8192xi32> to vector<1024x128xi32>
    %max3A_107 = arith.maxsi %max3A_105, %slice3A_106 : vector<1024x128xi32>
    %slice3A_108 = vector.extract_strided_slice %or3A {offsets = [0, 4480], sizes = [1024, 128], strides = [1, 1]} : vector<1024x8192xi32> to vector<1024x128xi32>
    %max3A_109 = arith.maxsi %max3A_107, %slice3A_108 : vector<1024x128xi32>
    %slice3A_110 = vector.extract_strided_slice %or3A {offsets = [0, 4608], sizes = [1024, 128], strides = [1, 1]} : vector<1024x8192xi32> to vector<1024x128xi32>
    %max3A_111 = arith.maxsi %max3A_109, %slice3A_110 : vector<1024x128xi32>
    %slice3A_112 = vector.extract_strided_slice %or3A {offsets = [0, 4736], sizes = [1024, 128], strides = [1, 1]} : vector<1024x8192xi32> to vector<1024x128xi32>
    %max3A_113 = arith.maxsi %max3A_111, %slice3A_112 : vector<1024x128xi32>
    %slice3A_114 = vector.extract_strided_slice %or3A {offsets = [0, 4864], sizes = [1024, 128], strides = [1, 1]} : vector<1024x8192xi32> to vector<1024x128xi32>
    %max3A_115 = arith.maxsi %max3A_113, %slice3A_114 : vector<1024x128xi32>
    %slice3A_116 = vector.extract_strided_slice %or3A {offsets = [0, 4992], sizes = [1024, 128], strides = [1, 1]} : vector<1024x8192xi32> to vector<1024x128xi32>
    %max3A_117 = arith.maxsi %max3A_115, %slice3A_116 : vector<1024x128xi32>
    %slice3A_118 = vector.extract_strided_slice %or3A {offsets = [0, 5120], sizes = [1024, 128], strides = [1, 1]} : vector<1024x8192xi32> to vector<1024x128xi32>
    %max3A_119 = arith.maxsi %max3A_117, %slice3A_118 : vector<1024x128xi32>
    %slice3A_120 = vector.extract_strided_slice %or3A {offsets = [0, 5248], sizes = [1024, 128], strides = [1, 1]} : vector<1024x8192xi32> to vector<1024x128xi32>
    %max3A_121 = arith.maxsi %max3A_119, %slice3A_120 : vector<1024x128xi32>
    %slice3A_122 = vector.extract_strided_slice %or3A {offsets = [0, 5376], sizes = [1024, 128], strides = [1, 1]} : vector<1024x8192xi32> to vector<1024x128xi32>
    %max3A_123 = arith.maxsi %max3A_121, %slice3A_122 : vector<1024x128xi32>
    %slice3A_124 = vector.extract_strided_slice %or3A {offsets = [0, 5504], sizes = [1024, 128], strides = [1, 1]} : vector<1024x8192xi32> to vector<1024x128xi32>
    %max3A_125 = arith.maxsi %max3A_123, %slice3A_124 : vector<1024x128xi32>
    %slice3A_126 = vector.extract_strided_slice %or3A {offsets = [0, 5632], sizes = [1024, 128], strides = [1, 1]} : vector<1024x8192xi32> to vector<1024x128xi32>
    %max3A_127 = arith.maxsi %max3A_125, %slice3A_126 : vector<1024x128xi32>
    %slice3A_128 = vector.extract_strided_slice %or3A {offsets = [0, 5760], sizes = [1024, 128], strides = [1, 1]} : vector<1024x8192xi32> to vector<1024x128xi32>
    %max3A_129 = arith.maxsi %max3A_127, %slice3A_128 : vector<1024x128xi32>
    %slice3A_130 = vector.extract_strided_slice %or3A {offsets = [0, 5888], sizes = [1024, 128], strides = [1, 1]} : vector<1024x8192xi32> to vector<1024x128xi32>
    %max3A_131 = arith.maxsi %max3A_129, %slice3A_130 : vector<1024x128xi32>
    %slice3A_132 = vector.extract_strided_slice %or3A {offsets = [0, 6016], sizes = [1024, 128], strides = [1, 1]} : vector<1024x8192xi32> to vector<1024x128xi32>
    %max3A_133 = arith.maxsi %max3A_131, %slice3A_132 : vector<1024x128xi32>
    %slice3A_134 = vector.extract_strided_slice %or3A {offsets = [0, 6144], sizes = [1024, 128], strides = [1, 1]} : vector<1024x8192xi32> to vector<1024x128xi32>
    %max3A_135 = arith.maxsi %max3A_133, %slice3A_134 : vector<1024x128xi32>
    %slice3A_136 = vector.extract_strided_slice %or3A {offsets = [0, 6272], sizes = [1024, 128], strides = [1, 1]} : vector<1024x8192xi32> to vector<1024x128xi32>
    %max3A_137 = arith.maxsi %max3A_135, %slice3A_136 : vector<1024x128xi32>
    %slice3A_138 = vector.extract_strided_slice %or3A {offsets = [0, 6400], sizes = [1024, 128], strides = [1, 1]} : vector<1024x8192xi32> to vector<1024x128xi32>
    %max3A_139 = arith.maxsi %max3A_137, %slice3A_138 : vector<1024x128xi32>
    %slice3A_140 = vector.extract_strided_slice %or3A {offsets = [0, 6528], sizes = [1024, 128], strides = [1, 1]} : vector<1024x8192xi32> to vector<1024x128xi32>
    %max3A_141 = arith.maxsi %max3A_139, %slice3A_140 : vector<1024x128xi32>
    %slice3A_142 = vector.extract_strided_slice %or3A {offsets = [0, 6656], sizes = [1024, 128], strides = [1, 1]} : vector<1024x8192xi32> to vector<1024x128xi32>
    %max3A_143 = arith.maxsi %max3A_141, %slice3A_142 : vector<1024x128xi32>
    %slice3A_144 = vector.extract_strided_slice %or3A {offsets = [0, 6784], sizes = [1024, 128], strides = [1, 1]} : vector<1024x8192xi32> to vector<1024x128xi32>
    %max3A_145 = arith.maxsi %max3A_143, %slice3A_144 : vector<1024x128xi32>
    %slice3A_146 = vector.extract_strided_slice %or3A {offsets = [0, 6912], sizes = [1024, 128], strides = [1, 1]} : vector<1024x8192xi32> to vector<1024x128xi32>
    %max3A_147 = arith.maxsi %max3A_145, %slice3A_146 : vector<1024x128xi32>
    %slice3A_148 = vector.extract_strided_slice %or3A {offsets = [0, 7040], sizes = [1024, 128], strides = [1, 1]} : vector<1024x8192xi32> to vector<1024x128xi32>
    %max3A_149 = arith.maxsi %max3A_147, %slice3A_148 : vector<1024x128xi32>
    %slice3A_150 = vector.extract_strided_slice %or3A {offsets = [0, 7168], sizes = [1024, 128], strides = [1, 1]} : vector<1024x8192xi32> to vector<1024x128xi32>
    %max3A_151 = arith.maxsi %max3A_149, %slice3A_150 : vector<1024x128xi32>
    %slice3A_152 = vector.extract_strided_slice %or3A {offsets = [0, 7296], sizes = [1024, 128], strides = [1, 1]} : vector<1024x8192xi32> to vector<1024x128xi32>
    %max3A_153 = arith.maxsi %max3A_151, %slice3A_152 : vector<1024x128xi32>
    %slice3A_154 = vector.extract_strided_slice %or3A {offsets = [0, 7424], sizes = [1024, 128], strides = [1, 1]} : vector<1024x8192xi32> to vector<1024x128xi32>
    %max3A_155 = arith.maxsi %max3A_153, %slice3A_154 : vector<1024x128xi32>
    %slice3A_156 = vector.extract_strided_slice %or3A {offsets = [0, 7552], sizes = [1024, 128], strides = [1, 1]} : vector<1024x8192xi32> to vector<1024x128xi32>
    %max3A_157 = arith.maxsi %max3A_155, %slice3A_156 : vector<1024x128xi32>
    %slice3A_158 = vector.extract_strided_slice %or3A {offsets = [0, 7680], sizes = [1024, 128], strides = [1, 1]} : vector<1024x8192xi32> to vector<1024x128xi32>
    %max3A_159 = arith.maxsi %max3A_157, %slice3A_158 : vector<1024x128xi32>
    %slice3A_160 = vector.extract_strided_slice %or3A {offsets = [0, 7808], sizes = [1024, 128], strides = [1, 1]} : vector<1024x8192xi32> to vector<1024x128xi32>
    %max3A_161 = arith.maxsi %max3A_159, %slice3A_160 : vector<1024x128xi32>
    %slice3A_162 = vector.extract_strided_slice %or3A {offsets = [0, 7936], sizes = [1024, 128], strides = [1, 1]} : vector<1024x8192xi32> to vector<1024x128xi32>
    %max3A_163 = arith.maxsi %max3A_161, %slice3A_162 : vector<1024x128xi32>
    %slice3A_164 = vector.extract_strided_slice %or3A {offsets = [0, 8064], sizes = [1024, 128], strides = [1, 1]} : vector<1024x8192xi32> to vector<1024x128xi32>
    %max3A_165 = arith.maxsi %max3A_163, %slice3A_164 : vector<1024x128xi32>
    %reduce_max3A = arith.constant dense<-2147483648> : vector<1024xi32>
    %reduce_max3A_166 = vector.multi_reduction <maxsi>, %max3A_165, %reduce_max3A [1] : vector<1024x128xi32> to vector<1024xi32>
    %broadcast_in_dim3A_167 = vector.shape_cast %reduce_max3A_166 : vector<1024xi32> to vector<1024x1xi32>
    %and3A_168 = arith.constant -8192 : i32
    %and3A_169 = vector.broadcast %and3A_168 : i32 to vector<1024x1xi32>
    %and3A_170 = arith.andi %broadcast_in_dim3A_167, %and3A_169 : vector<1024x1xi32>
    %shift_right_arithmetic3A_171 = arith.constant 31 : i32
    %shift_right_arithmetic3A_172 = vector.broadcast %shift_right_arithmetic3A_171 : i32 to vector<1024x1xi32>
    %shift_right_arithmetic3A_173 = arith.shrsi %and3A_170, %shift_right_arithmetic3A_172 : vector<1024x1xi32>
    %and3A_174 = arith.constant 2147483647 : i32
    %and3A_175 = vector.broadcast %and3A_174 : i32 to vector<1024x1xi32>
    %and3A_176 = arith.andi %shift_right_arithmetic3A_173, %and3A_175 : vector<1024x1xi32>
    %xor3A_177 = arith.xori %and3A_170, %and3A_176 : vector<1024x1xi32>
    %bitcast_convert_type3A_178 = tpu.bitcast %xor3A_177 : vector<1024x1xi32> -> vector<1024x1xf32>
    %mul3A_179 = arith.constant 8192 : i32
    %mul3A_180 = arith.muli %arg0, %mul3A_179 : i32
    %and3A_181 = arith.constant 8191 : i32
    %and3A_182 = vector.broadcast %and3A_181 : i32 to vector<1024x1xi32>
    %and3A_183 = arith.andi %broadcast_in_dim3A_167, %and3A_182 : vector<1024x1xi32>
    %sub3A_184 = arith.constant 8191 : i32
    %sub3A_185 = vector.broadcast %sub3A_184 : i32 to vector<1024x1xi32>
    %sub3A_186 = arith.subi %sub3A_185, %and3A_183 : vector<1024x1xi32>
    %add3A_187 = vector.broadcast %mul3A_180 : i32 to vector<1024x1xi32>
    %add3A_188 = arith.addi %add3A_187, %sub3A_186 : vector<1024x1xi32>
    %get3A_189 = arith.constant 0 : index
    %get3A_190 = arith.constant 0 : index
    %get3A_191 = vector.load %arg5[%get3A_189, %get3A_190] : memref<1024x1xf32, #tpu.memory_space<vmem>>, vector<1024x1xf32>
    %gt3A = arith.cmpf ogt, %bitcast_convert_type3A_178, %get3A_191 : vector<1024x1xf32>
    %get3A_192 = arith.constant 0 : index
    %get3A_193 = arith.constant 0 : index
    %get3A_194 = vector.load %arg8[%get3A_192, %get3A_193] : memref<1024x1xi32, #tpu.memory_space<vmem>>, vector<1024x1xi32>
    %select_n3A_195 = arith.select %gt3A, %add3A_188, %get3A_194 : vector<1024x1xi1>, vector<1024x1xi32>
    %swap3A_196 = arith.constant 0 : index
    %swap3A_197 = arith.constant 0 : index
    %swap3A_198 = vector.load %arg8[%swap3A_196, %swap3A_197] : memref<1024x1xi32, #tpu.memory_space<vmem>>, vector<1024x1xi32>
    tpu.vector_store %arg8[%swap3A_196, %swap3A_197], %select_n3A_195 {strides = array<i32>} : memref<1024x1xi32, #tpu.memory_space<vmem>>, vector<1024x1xi32>,
    %get3A_199 = arith.constant 0 : index
    %get3A_200 = arith.constant 0 : index
    %get3A_201 = vector.load %arg5[%get3A_199, %get3A_200] : memref<1024x1xf32, #tpu.memory_space<vmem>>, vector<1024x1xf32>
    %max3A_202 = arith.maximumf %get3A_201, %bitcast_convert_type3A_178 : vector<1024x1xf32>
    %swap3A_203 = arith.constant 0 : index
    %swap3A_204 = arith.constant 0 : index
    %swap3A_205 = vector.load %arg5[%swap3A_203, %swap3A_204] : memref<1024x1xf32, #tpu.memory_space<vmem>>, vector<1024x1xf32>
    tpu.vector_store %arg5[%swap3A_203, %swap3A_204], %max3A_202 {strides = array<i32>} : memref<1024x1xf32, #tpu.memory_space<vmem>>, vector<1024x1xf32>,
    %mul3A_206 = arith.mulf %select_n3A, %select_n3A : vector<8192x64xf32>
    %reduce_sum3A_207 = arith.constant dense<0.000000e+00> : vector<8192xf32>
    %reduce_sum3A_208 = vector.multi_reduction <add>, %mul3A_206, %reduce_sum3A_207 [1] : vector<8192x64xf32> to vector<8192xf32>
    %broadcast_in_dim3A_209 = vector.shape_cast %reduce_sum3A_208 : vector<8192xf32> to vector<1x8192xf32>
    %mul3A_210 = arith.constant 5.000000e-01 : f32
    %mul3A_211 = vector.broadcast %mul3A_210 : f32 to vector<1x8192xf32>
    %mul3A_212 = arith.mulf %mul3A_211, %broadcast_in_dim3A_209 : vector<1x8192xf32>
    %sub3A_213 = vector.broadcast %mul3A_212 : vector<1x8192xf32> to vector<1024x8192xf32>
    %sub3A_214 = arith.subf %dot_general3A_11, %sub3A_213 : vector<1024x8192xf32>
    %bitcast_convert_type3A_215 = tpu.bitcast %sub3A_214 : vector<1024x8192xf32> -> vector<1024x8192xi32>
    %shift_right_arithmetic3A_216 = arith.constant 31 : i32
    %shift_right_arithmetic3A_217 = vector.broadcast %shift_right_arithmetic3A_216 : i32 to vector<1024x8192xi32>
    %shift_right_arithmetic3A_218 = arith.shrsi %bitcast_convert_type3A_215, %shift_right_arithmetic3A_217 : vector<1024x8192xi32>
    %and3A_219 = arith.constant 2147483647 : i32
    %and3A_220 = vector.broadcast %and3A_219 : i32 to vector<1024x8192xi32>
    %and3A_221 = arith.andi %shift_right_arithmetic3A_218, %and3A_220 : vector<1024x8192xi32>
    %xor3A_222 = arith.xori %bitcast_convert_type3A_215, %and3A_221 : vector<1024x8192xi32>
    %and3A_223 = arith.constant -8192 : i32
    %and3A_224 = vector.broadcast %and3A_223 : i32 to vector<1024x8192xi32>
    %and3A_225 = arith.andi %xor3A_222, %and3A_224 : vector<1024x8192xi32>
    %or3A_226 = arith.ori %and3A_225, %sub3A_33 : vector<1024x8192xi32>
    %slice3A_227 = vector.extract_strided_slice %or3A_226 {offsets = [0, 0], sizes = [1024, 128], strides = [1, 1]} : vector<1024x8192xi32> to vector<1024x128xi32>
    %slice3A_228 = vector.extract_strided_slice %or3A_226 {offsets = [0, 128], sizes = [1024, 128], strides = [1, 1]} : vector<1024x8192xi32> to vector<1024x128xi32>
    %max3A_229 = arith.maxsi %slice3A_227, %slice3A_228 : vector<1024x128xi32>
    %slice3A_230 = vector.extract_strided_slice %or3A_226 {offsets = [0, 256], sizes = [1024, 128], strides = [1, 1]} : vector<1024x8192xi32> to vector<1024x128xi32>
    %max3A_231 = arith.maxsi %max3A_229, %slice3A_230 : vector<1024x128xi32>
    %slice3A_232 = vector.extract_strided_slice %or3A_226 {offsets = [0, 384], sizes = [1024, 128], strides = [1, 1]} : vector<1024x8192xi32> to vector<1024x128xi32>
    %max3A_233 = arith.maxsi %max3A_231, %slice3A_232 : vector<1024x128xi32>
    %slice3A_234 = vector.extract_strided_slice %or3A_226 {offsets = [0, 512], sizes = [1024, 128], strides = [1, 1]} : vector<1024x8192xi32> to vector<1024x128xi32>
    %max3A_235 = arith.maxsi %max3A_233, %slice3A_234 : vector<1024x128xi32>
    %slice3A_236 = vector.extract_strided_slice %or3A_226 {offsets = [0, 640], sizes = [1024, 128], strides = [1, 1]} : vector<1024x8192xi32> to vector<1024x128xi32>
    %max3A_237 = arith.maxsi %max3A_235, %slice3A_236 : vector<1024x128xi32>
    %slice3A_238 = vector.extract_strided_slice %or3A_226 {offsets = [0, 768], sizes = [1024, 128], strides = [1, 1]} : vector<1024x8192xi32> to vector<1024x128xi32>
    %max3A_239 = arith.maxsi %max3A_237, %slice3A_238 : vector<1024x128xi32>
    %slice3A_240 = vector.extract_strided_slice %or3A_226 {offsets = [0, 896], sizes = [1024, 128], strides = [1, 1]} : vector<1024x8192xi32> to vector<1024x128xi32>
    %max3A_241 = arith.maxsi %max3A_239, %slice3A_240 : vector<1024x128xi32>
    %slice3A_242 = vector.extract_strided_slice %or3A_226 {offsets = [0, 1024], sizes = [1024, 128], strides = [1, 1]} : vector<1024x8192xi32> to vector<1024x128xi32>
    %max3A_243 = arith.maxsi %max3A_241, %slice3A_242 : vector<1024x128xi32>
    %slice3A_244 = vector.extract_strided_slice %or3A_226 {offsets = [0, 1152], sizes = [1024, 128], strides = [1, 1]} : vector<1024x8192xi32> to vector<1024x128xi32>
    %max3A_245 = arith.maxsi %max3A_243, %slice3A_244 : vector<1024x128xi32>
    %slice3A_246 = vector.extract_strided_slice %or3A_226 {offsets = [0, 1280], sizes = [1024, 128], strides = [1, 1]} : vector<1024x8192xi32> to vector<1024x128xi32>
    %max3A_247 = arith.maxsi %max3A_245, %slice3A_246 : vector<1024x128xi32>
    %slice3A_248 = vector.extract_strided_slice %or3A_226 {offsets = [0, 1408], sizes = [1024, 128], strides = [1, 1]} : vector<1024x8192xi32> to vector<1024x128xi32>
    %max3A_249 = arith.maxsi %max3A_247, %slice3A_248 : vector<1024x128xi32>
    %slice3A_250 = vector.extract_strided_slice %or3A_226 {offsets = [0, 1536], sizes = [1024, 128], strides = [1, 1]} : vector<1024x8192xi32> to vector<1024x128xi32>
    %max3A_251 = arith.maxsi %max3A_249, %slice3A_250 : vector<1024x128xi32>
    %slice3A_252 = vector.extract_strided_slice %or3A_226 {offsets = [0, 1664], sizes = [1024, 128], strides = [1, 1]} : vector<1024x8192xi32> to vector<1024x128xi32>
    %max3A_253 = arith.maxsi %max3A_251, %slice3A_252 : vector<1024x128xi32>
    %slice3A_254 = vector.extract_strided_slice %or3A_226 {offsets = [0, 1792], sizes = [1024, 128], strides = [1, 1]} : vector<1024x8192xi32> to vector<1024x128xi32>
    %max3A_255 = arith.maxsi %max3A_253, %slice3A_254 : vector<1024x128xi32>
    %slice3A_256 = vector.extract_strided_slice %or3A_226 {offsets = [0, 1920], sizes = [1024, 128], strides = [1, 1]} : vector<1024x8192xi32> to vector<1024x128xi32>
    %max3A_257 = arith.maxsi %max3A_255, %slice3A_256 : vector<1024x128xi32>
    %slice3A_258 = vector.extract_strided_slice %or3A_226 {offsets = [0, 2048], sizes = [1024, 128], strides = [1, 1]} : vector<1024x8192xi32> to vector<1024x128xi32>
    %max3A_259 = arith.maxsi %max3A_257, %slice3A_258 : vector<1024x128xi32>
    %slice3A_260 = vector.extract_strided_slice %or3A_226 {offsets = [0, 2176], sizes = [1024, 128], strides = [1, 1]} : vector<1024x8192xi32> to vector<1024x128xi32>
    %max3A_261 = arith.maxsi %max3A_259, %slice3A_260 : vector<1024x128xi32>
    %slice3A_262 = vector.extract_strided_slice %or3A_226 {offsets = [0, 2304], sizes = [1024, 128], strides = [1, 1]} : vector<1024x8192xi32> to vector<1024x128xi32>
    %max3A_263 = arith.maxsi %max3A_261, %slice3A_262 : vector<1024x128xi32>
    %slice3A_264 = vector.extract_strided_slice %or3A_226 {offsets = [0, 2432], sizes = [1024, 128], strides = [1, 1]} : vector<1024x8192xi32> to vector<1024x128xi32>
    %max3A_265 = arith.maxsi %max3A_263, %slice3A_264 : vector<1024x128xi32>
    %slice3A_266 = vector.extract_strided_slice %or3A_226 {offsets = [0, 2560], sizes = [1024, 128], strides = [1, 1]} : vector<1024x8192xi32> to vector<1024x128xi32>
    %max3A_267 = arith.maxsi %max3A_265, %slice3A_266 : vector<1024x128xi32>
    %slice3A_268 = vector.extract_strided_slice %or3A_226 {offsets = [0, 2688], sizes = [1024, 128], strides = [1, 1]} : vector<1024x8192xi32> to vector<1024x128xi32>
    %max3A_269 = arith.maxsi %max3A_267, %slice3A_268 : vector<1024x128xi32>
    %slice3A_270 = vector.extract_strided_slice %or3A_226 {offsets = [0, 2816], sizes = [1024, 128], strides = [1, 1]} : vector<1024x8192xi32> to vector<1024x128xi32>
    %max3A_271 = arith.maxsi %max3A_269, %slice3A_270 : vector<1024x128xi32>
    %slice3A_272 = vector.extract_strided_slice %or3A_226 {offsets = [0, 2944], sizes = [1024, 128], strides = [1, 1]} : vector<1024x8192xi32> to vector<1024x128xi32>
    %max3A_273 = arith.maxsi %max3A_271, %slice3A_272 : vector<1024x128xi32>
    %slice3A_274 = vector.extract_strided_slice %or3A_226 {offsets = [0, 3072], sizes = [1024, 128], strides = [1, 1]} : vector<1024x8192xi32> to vector<1024x128xi32>
    %max3A_275 = arith.maxsi %max3A_273, %slice3A_274 : vector<1024x128xi32>
    %slice3A_276 = vector.extract_strided_slice %or3A_226 {offsets = [0, 3200], sizes = [1024, 128], strides = [1, 1]} : vector<1024x8192xi32> to vector<1024x128xi32>
    %max3A_277 = arith.maxsi %max3A_275, %slice3A_276 : vector<1024x128xi32>
    %slice3A_278 = vector.extract_strided_slice %or3A_226 {offsets = [0, 3328], sizes = [1024, 128], strides = [1, 1]} : vector<1024x8192xi32> to vector<1024x128xi32>
    %max3A_279 = arith.maxsi %max3A_277, %slice3A_278 : vector<1024x128xi32>
    %slice3A_280 = vector.extract_strided_slice %or3A_226 {offsets = [0, 3456], sizes = [1024, 128], strides = [1, 1]} : vector<1024x8192xi32> to vector<1024x128xi32>
    %max3A_281 = arith.maxsi %max3A_279, %slice3A_280 : vector<1024x128xi32>
    %slice3A_282 = vector.extract_strided_slice %or3A_226 {offsets = [0, 3584], sizes = [1024, 128], strides = [1, 1]} : vector<1024x8192xi32> to vector<1024x128xi32>
    %max3A_283 = arith.maxsi %max3A_281, %slice3A_282 : vector<1024x128xi32>
    %slice3A_284 = vector.extract_strided_slice %or3A_226 {offsets = [0, 3712], sizes = [1024, 128], strides = [1, 1]} : vector<1024x8192xi32> to vector<1024x128xi32>
    %max3A_285 = arith.maxsi %max3A_283, %slice3A_284 : vector<1024x128xi32>
    %slice3A_286 = vector.extract_strided_slice %or3A_226 {offsets = [0, 3840], sizes = [1024, 128], strides = [1, 1]} : vector<1024x8192xi32> to vector<1024x128xi32>
    %max3A_287 = arith.maxsi %max3A_285, %slice3A_286 : vector<1024x128xi32>
    %slice3A_288 = vector.extract_strided_slice %or3A_226 {offsets = [0, 3968], sizes = [1024, 128], strides = [1, 1]} : vector<1024x8192xi32> to vector<1024x128xi32>
    %max3A_289 = arith.maxsi %max3A_287, %slice3A_288 : vector<1024x128xi32>
    %slice3A_290 = vector.extract_strided_slice %or3A_226 {offsets = [0, 4096], sizes = [1024, 128], strides = [1, 1]} : vector<1024x8192xi32> to vector<1024x128xi32>
    %max3A_291 = arith.maxsi %max3A_289, %slice3A_290 : vector<1024x128xi32>
    %slice3A_292 = vector.extract_strided_slice %or3A_226 {offsets = [0, 4224], sizes = [1024, 128], strides = [1, 1]} : vector<1024x8192xi32> to vector<1024x128xi32>
    %max3A_293 = arith.maxsi %max3A_291, %slice3A_292 : vector<1024x128xi32>
    %slice3A_294 = vector.extract_strided_slice %or3A_226 {offsets = [0, 4352], sizes = [1024, 128], strides = [1, 1]} : vector<1024x8192xi32> to vector<1024x128xi32>
    %max3A_295 = arith.maxsi %max3A_293, %slice3A_294 : vector<1024x128xi32>
    %slice3A_296 = vector.extract_strided_slice %or3A_226 {offsets = [0, 4480], sizes = [1024, 128], strides = [1, 1]} : vector<1024x8192xi32> to vector<1024x128xi32>
    %max3A_297 = arith.maxsi %max3A_295, %slice3A_296 : vector<1024x128xi32>
    %slice3A_298 = vector.extract_strided_slice %or3A_226 {offsets = [0, 4608], sizes = [1024, 128], strides = [1, 1]} : vector<1024x8192xi32> to vector<1024x128xi32>
    %max3A_299 = arith.maxsi %max3A_297, %slice3A_298 : vector<1024x128xi32>
    %slice3A_300 = vector.extract_strided_slice %or3A_226 {offsets = [0, 4736], sizes = [1024, 128], strides = [1, 1]} : vector<1024x8192xi32> to vector<1024x128xi32>
    %max3A_301 = arith.maxsi %max3A_299, %slice3A_300 : vector<1024x128xi32>
    %slice3A_302 = vector.extract_strided_slice %or3A_226 {offsets = [0, 4864], sizes = [1024, 128], strides = [1, 1]} : vector<1024x8192xi32> to vector<1024x128xi32>
    %max3A_303 = arith.maxsi %max3A_301, %slice3A_302 : vector<1024x128xi32>
    %slice3A_304 = vector.extract_strided_slice %or3A_226 {offsets = [0, 4992], sizes = [1024, 128], strides = [1, 1]} : vector<1024x8192xi32> to vector<1024x128xi32>
    %max3A_305 = arith.maxsi %max3A_303, %slice3A_304 : vector<1024x128xi32>
    %slice3A_306 = vector.extract_strided_slice %or3A_226 {offsets = [0, 5120], sizes = [1024, 128], strides = [1, 1]} : vector<1024x8192xi32> to vector<1024x128xi32>
    %max3A_307 = arith.maxsi %max3A_305, %slice3A_306 : vector<1024x128xi32>
    %slice3A_308 = vector.extract_strided_slice %or3A_226 {offsets = [0, 5248], sizes = [1024, 128], strides = [1, 1]} : vector<1024x8192xi32> to vector<1024x128xi32>
    %max3A_309 = arith.maxsi %max3A_307, %slice3A_308 : vector<1024x128xi32>
    %slice3A_310 = vector.extract_strided_slice %or3A_226 {offsets = [0, 5376], sizes = [1024, 128], strides = [1, 1]} : vector<1024x8192xi32> to vector<1024x128xi32>
    %max3A_311 = arith.maxsi %max3A_309, %slice3A_310 : vector<1024x128xi32>
    %slice3A_312 = vector.extract_strided_slice %or3A_226 {offsets = [0, 5504], sizes = [1024, 128], strides = [1, 1]} : vector<1024x8192xi32> to vector<1024x128xi32>
    %max3A_313 = arith.maxsi %max3A_311, %slice3A_312 : vector<1024x128xi32>
    %slice3A_314 = vector.extract_strided_slice %or3A_226 {offsets = [0, 5632], sizes = [1024, 128], strides = [1, 1]} : vector<1024x8192xi32> to vector<1024x128xi32>
    %max3A_315 = arith.maxsi %max3A_313, %slice3A_314 : vector<1024x128xi32>
    %slice3A_316 = vector.extract_strided_slice %or3A_226 {offsets = [0, 5760], sizes = [1024, 128], strides = [1, 1]} : vector<1024x8192xi32> to vector<1024x128xi32>
    %max3A_317 = arith.maxsi %max3A_315, %slice3A_316 : vector<1024x128xi32>
    %slice3A_318 = vector.extract_strided_slice %or3A_226 {offsets = [0, 5888], sizes = [1024, 128], strides = [1, 1]} : vector<1024x8192xi32> to vector<1024x128xi32>
    %max3A_319 = arith.maxsi %max3A_317, %slice3A_318 : vector<1024x128xi32>
    %slice3A_320 = vector.extract_strided_slice %or3A_226 {offsets = [0, 6016], sizes = [1024, 128], strides = [1, 1]} : vector<1024x8192xi32> to vector<1024x128xi32>
    %max3A_321 = arith.maxsi %max3A_319, %slice3A_320 : vector<1024x128xi32>
    %slice3A_322 = vector.extract_strided_slice %or3A_226 {offsets = [0, 6144], sizes = [1024, 128], strides = [1, 1]} : vector<1024x8192xi32> to vector<1024x128xi32>
    %max3A_323 = arith.maxsi %max3A_321, %slice3A_322 : vector<1024x128xi32>
    %slice3A_324 = vector.extract_strided_slice %or3A_226 {offsets = [0, 6272], sizes = [1024, 128], strides = [1, 1]} : vector<1024x8192xi32> to vector<1024x128xi32>
    %max3A_325 = arith.maxsi %max3A_323, %slice3A_324 : vector<1024x128xi32>
    %slice3A_326 = vector.extract_strided_slice %or3A_226 {offsets = [0, 6400], sizes = [1024, 128], strides = [1, 1]} : vector<1024x8192xi32> to vector<1024x128xi32>
    %max3A_327 = arith.maxsi %max3A_325, %slice3A_326 : vector<1024x128xi32>
    %slice3A_328 = vector.extract_strided_slice %or3A_226 {offsets = [0, 6528], sizes = [1024, 128], strides = [1, 1]} : vector<1024x8192xi32> to vector<1024x128xi32>
    %max3A_329 = arith.maxsi %max3A_327, %slice3A_328 : vector<1024x128xi32>
    %slice3A_330 = vector.extract_strided_slice %or3A_226 {offsets = [0, 6656], sizes = [1024, 128], strides = [1, 1]} : vector<1024x8192xi32> to vector<1024x128xi32>
    %max3A_331 = arith.maxsi %max3A_329, %slice3A_330 : vector<1024x128xi32>
    %slice3A_332 = vector.extract_strided_slice %or3A_226 {offsets = [0, 6784], sizes = [1024, 128], strides = [1, 1]} : vector<1024x8192xi32> to vector<1024x128xi32>
    %max3A_333 = arith.maxsi %max3A_331, %slice3A_332 : vector<1024x128xi32>
    %slice3A_334 = vector.extract_strided_slice %or3A_226 {offsets = [0, 6912], sizes = [1024, 128], strides = [1, 1]} : vector<1024x8192xi32> to vector<1024x128xi32>
    %max3A_335 = arith.maxsi %max3A_333, %slice3A_334 : vector<1024x128xi32>
    %slice3A_336 = vector.extract_strided_slice %or3A_226 {offsets = [0, 7040], sizes = [1024, 128], strides = [1, 1]} : vector<1024x8192xi32> to vector<1024x128xi32>
    %max3A_337 = arith.maxsi %max3A_335, %slice3A_336 : vector<1024x128xi32>
    %slice3A_338 = vector.extract_strided_slice %or3A_226 {offsets = [0, 7168], sizes = [1024, 128], strides = [1, 1]} : vector<1024x8192xi32> to vector<1024x128xi32>
    %max3A_339 = arith.maxsi %max3A_337, %slice3A_338 : vector<1024x128xi32>
    %slice3A_340 = vector.extract_strided_slice %or3A_226 {offsets = [0, 7296], sizes = [1024, 128], strides = [1, 1]} : vector<1024x8192xi32> to vector<1024x128xi32>
    %max3A_341 = arith.maxsi %max3A_339, %slice3A_340 : vector<1024x128xi32>
    %slice3A_342 = vector.extract_strided_slice %or3A_226 {offsets = [0, 7424], sizes = [1024, 128], strides = [1, 1]} : vector<1024x8192xi32> to vector<1024x128xi32>
    %max3A_343 = arith.maxsi %max3A_341, %slice3A_342 : vector<1024x128xi32>
    %slice3A_344 = vector.extract_strided_slice %or3A_226 {offsets = [0, 7552], sizes = [1024, 128], strides = [1, 1]} : vector<1024x8192xi32> to vector<1024x128xi32>
    %max3A_345 = arith.maxsi %max3A_343, %slice3A_344 : vector<1024x128xi32>
    %slice3A_346 = vector.extract_strided_slice %or3A_226 {offsets = [0, 7680], sizes = [1024, 128], strides = [1, 1]} : vector<1024x8192xi32> to vector<1024x128xi32>
    %max3A_347 = arith.maxsi %max3A_345, %slice3A_346 : vector<1024x128xi32>
    %slice3A_348 = vector.extract_strided_slice %or3A_226 {offsets = [0, 7808], sizes = [1024, 128], strides = [1, 1]} : vector<1024x8192xi32> to vector<1024x128xi32>
    %max3A_349 = arith.maxsi %max3A_347, %slice3A_348 : vector<1024x128xi32>
    %slice3A_350 = vector.extract_strided_slice %or3A_226 {offsets = [0, 7936], sizes = [1024, 128], strides = [1, 1]} : vector<1024x8192xi32> to vector<1024x128xi32>
    %max3A_351 = arith.maxsi %max3A_349, %slice3A_350 : vector<1024x128xi32>
    %slice3A_352 = vector.extract_strided_slice %or3A_226 {offsets = [0, 8064], sizes = [1024, 128], strides = [1, 1]} : vector<1024x8192xi32> to vector<1024x128xi32>
    %max3A_353 = arith.maxsi %max3A_351, %slice3A_352 : vector<1024x128xi32>
    %get3A_354 = arith.constant 0 : index
    %get3A_355 = arith.constant 0 : index
    %get3A_356 = vector.load %arg9[%get3A_354, %get3A_355] : memref<1024x1xf32, #tpu.memory_space<vmem>>, vector<1024x1xf32>
    %get3A_357 = arith.constant 0 : index
    %get3A_358 = arith.constant 0 : index
    %get3A_359 = vector.load %arg10[%get3A_357, %get3A_358] : memref<1024x1xf32, #tpu.memory_space<vmem>>, vector<1024x1xf32>
    %get3A_360 = arith.constant 0 : index
    %get3A_361 = arith.constant 0 : index
    %get3A_362 = vector.load %arg11[%get3A_360, %get3A_361] : memref<1024x1xf32, #tpu.memory_space<vmem>>, vector<1024x1xf32>
    %get3A_363 = arith.constant 0 : index
    %get3A_364 = arith.constant 0 : index
    %get3A_365 = vector.load %arg12[%get3A_363, %get3A_364] : memref<1024x1xi32, #tpu.memory_space<vmem>>, vector<1024x1xi32>
    %get3A_366 = arith.constant 0 : index
    %get3A_367 = arith.constant 0 : index
    %get3A_368 = vector.load %arg13[%get3A_366, %get3A_367] : memref<1024x1xi32, #tpu.memory_space<vmem>>, vector<1024x1xi32>
    %get3A_369 = arith.constant 0 : index
    %get3A_370 = arith.constant 0 : index
    %get3A_371 = vector.load %arg14[%get3A_369, %get3A_370] : memref<1024x1xi32, #tpu.memory_space<vmem>>, vector<1024x1xi32>
    %reduce_max3A_372 = arith.constant dense<-2147483648> : vector<1024xi32>
    %reduce_max3A_373 = vector.multi_reduction <maxsi>, %max3A_353, %reduce_max3A_372 [1] : vector<1024x128xi32> to vector<1024xi32>
    %broadcast_in_dim3A_374 = vector.shape_cast %reduce_max3A_373 : vector<1024xi32> to vector<1024x1xi32>
    %eq3A_375 = vector.broadcast %broadcast_in_dim3A_374 : vector<1024x1xi32> to vector<1024x128xi32>
    %eq3A_376 = arith.cmpi eq, %max3A_353, %eq3A_375 : vector<1024x128xi32>
    %jit3A_377 = arith.constant -2147483648 : i32
    %broadcast_in_dim3A_378 = vector.broadcast %jit3A_377 : i32 to vector<1024x128xi32>
    %select_n3A_379 = arith.select %eq3A_376, %broadcast_in_dim3A_378, %max3A_353 : vector<1024x128xi1>, vector<1024x128xi32>
    %and3A_380 = arith.constant -8192 : i32
    %and3A_381 = vector.broadcast %and3A_380 : i32 to vector<1024x1xi32>
    %and3A_382 = arith.andi %broadcast_in_dim3A_374, %and3A_381 : vector<1024x1xi32>
    %shift_right_arithmetic3A_383 = arith.constant 31 : i32
    %shift_right_arithmetic3A_384 = vector.broadcast %shift_right_arithmetic3A_383 : i32 to vector<1024x1xi32>
    %shift_right_arithmetic3A_385 = arith.shrsi %and3A_382, %shift_right_arithmetic3A_384 : vector<1024x1xi32>
    %and3A_386 = arith.constant 2147483647 : i32
    %and3A_387 = vector.broadcast %and3A_386 : i32 to vector<1024x1xi32>
    %and3A_388 = arith.andi %shift_right_arithmetic3A_385, %and3A_387 : vector<1024x1xi32>
    %xor3A_389 = arith.xori %and3A_382, %and3A_388 : vector<1024x1xi32>
    %bitcast_convert_type3A_390 = tpu.bitcast %xor3A_389 : vector<1024x1xi32> -> vector<1024x1xf32>
    %mul3A_391 = arith.constant 8192 : i32
    %mul3A_392 = arith.muli %arg0, %mul3A_391 : i32
    %and3A_393 = arith.constant 8191 : i32
    %and3A_394 = vector.broadcast %and3A_393 : i32 to vector<1024x1xi32>
    %and3A_395 = arith.andi %broadcast_in_dim3A_374, %and3A_394 : vector<1024x1xi32>
    %sub3A_396 = arith.constant 8191 : i32
    %sub3A_397 = vector.broadcast %sub3A_396 : i32 to vector<1024x1xi32>
    %sub3A_398 = arith.subi %sub3A_397, %and3A_395 : vector<1024x1xi32>
    %add3A_399 = vector.broadcast %mul3A_392 : i32 to vector<1024x1xi32>
    %add3A_400 = arith.addi %add3A_399, %sub3A_398 : vector<1024x1xi32>
    %gt3A_401 = arith.cmpf ogt, %bitcast_convert_type3A_390, %get3A_356 : vector<1024x1xf32>
    %gt3A_402 = arith.cmpf ogt, %bitcast_convert_type3A_390, %get3A_359 : vector<1024x1xf32>
    %gt3A_403 = arith.cmpf ogt, %bitcast_convert_type3A_390, %get3A_362 : vector<1024x1xf32>
    %select_n3A_404 = arith.select %gt3A_401, %bitcast_convert_type3A_390, %get3A_356 : vector<1024x1xi1>, vector<1024x1xf32>
    %select_n3A_405 = arith.select %gt3A_401, %add3A_400, %get3A_365 : vector<1024x1xi1>, vector<1024x1xi32>
    %select_n3A_406 = arith.select %gt3A_402, %bitcast_convert_type3A_390, %get3A_359 : vector<1024x1xi1>, vector<1024x1xf32>
    %select_n3A_407 = arith.select %gt3A_401, %get3A_356, %select_n3A_406 : vector<1024x1xi1>, vector<1024x1xf32>
    %select_n3A_408 = arith.select %gt3A_402, %add3A_400, %get3A_368 : vector<1024x1xi1>, vector<1024x1xi32>
    %select_n3A_409 = arith.select %gt3A_401, %get3A_365, %select_n3A_408 : vector<1024x1xi1>, vector<1024x1xi32>
    %or3A_410 = arith.ori %gt3A_401, %gt3A_402 : vector<1024x1xi1>
    %select_n3A_411 = arith.select %gt3A_403, %bitcast_convert_type3A_390, %get3A_362 : vector<1024x1xi1>, vector<1024x1xf32>
    %select_n3A_412 = arith.select %or3A_410, %get3A_359, %select_n3A_411 : vector<1024x1xi1>, vector<1024x1xf32>
    %or3A_413 = arith.ori %gt3A_401, %gt3A_402 : vector<1024x1xi1>
    %select_n3A_414 = arith.select %gt3A_403, %add3A_400, %get3A_371 : vector<1024x1xi1>, vector<1024x1xi32>
    %select_n3A_415 = arith.select %or3A_413, %get3A_368, %select_n3A_414 : vector<1024x1xi1>, vector<1024x1xi32>
    %reduce_max3A_416 = arith.constant dense<-2147483648> : vector<1024xi32>
    %reduce_max3A_417 = vector.multi_reduction <maxsi>, %select_n3A_379, %reduce_max3A_416 [1] : vector<1024x128xi32> to vector<1024xi32>
    %broadcast_in_dim3A_418 = vector.shape_cast %reduce_max3A_417 : vector<1024xi32> to vector<1024x1xi32>
    %eq3A_419 = vector.broadcast %broadcast_in_dim3A_418 : vector<1024x1xi32> to vector<1024x128xi32>
    %eq3A_420 = arith.cmpi eq, %select_n3A_379, %eq3A_419 : vector<1024x128xi32>
    %jit3A_421 = arith.constant -2147483648 : i32
    %broadcast_in_dim3A_422 = vector.broadcast %jit3A_421 : i32 to vector<1024x128xi32>
    %select_n3A_423 = arith.select %eq3A_420, %broadcast_in_dim3A_422, %select_n3A_379 : vector<1024x128xi1>, vector<1024x128xi32>
    %and3A_424 = arith.constant -8192 : i32
    %and3A_425 = vector.broadcast %and3A_424 : i32 to vector<1024x1xi32>
    %and3A_426 = arith.andi %broadcast_in_dim3A_418, %and3A_425 : vector<1024x1xi32>
    %shift_right_arithmetic3A_427 = arith.constant 31 : i32
    %shift_right_arithmetic3A_428 = vector.broadcast %shift_right_arithmetic3A_427 : i32 to vector<1024x1xi32>
    %shift_right_arithmetic3A_429 = arith.shrsi %and3A_426, %shift_right_arithmetic3A_428 : vector<1024x1xi32>
    %and3A_430 = arith.constant 2147483647 : i32
    %and3A_431 = vector.broadcast %and3A_430 : i32 to vector<1024x1xi32>
    %and3A_432 = arith.andi %shift_right_arithmetic3A_429, %and3A_431 : vector<1024x1xi32>
    %xor3A_433 = arith.xori %and3A_426, %and3A_432 : vector<1024x1xi32>
    %bitcast_convert_type3A_434 = tpu.bitcast %xor3A_433 : vector<1024x1xi32> -> vector<1024x1xf32>
    %mul3A_435 = arith.constant 8192 : i32
    %mul3A_436 = arith.muli %arg0, %mul3A_435 : i32
    %and3A_437 = arith.constant 8191 : i32
    %and3A_438 = vector.broadcast %and3A_437 : i32 to vector<1024x1xi32>
    %and3A_439 = arith.andi %broadcast_in_dim3A_418, %and3A_438 : vector<1024x1xi32>
    %sub3A_440 = arith.constant 8191 : i32
    %sub3A_441 = vector.broadcast %sub3A_440 : i32 to vector<1024x1xi32>
    %sub3A_442 = arith.subi %sub3A_441, %and3A_439 : vector<1024x1xi32>
    %add3A_443 = vector.broadcast %mul3A_436 : i32 to vector<1024x1xi32>
    %add3A_444 = arith.addi %add3A_443, %sub3A_442 : vector<1024x1xi32>
    %gt3A_445 = arith.cmpf ogt, %bitcast_convert_type3A_434, %select_n3A_404 : vector<1024x1xf32>
    %gt3A_446 = arith.cmpf ogt, %bitcast_convert_type3A_434, %select_n3A_407 : vector<1024x1xf32>
    %gt3A_447 = arith.cmpf ogt, %bitcast_convert_type3A_434, %select_n3A_412 : vector<1024x1xf32>
    %select_n3A_448 = arith.select %gt3A_445, %bitcast_convert_type3A_434, %select_n3A_404 : vector<1024x1xi1>, vector<1024x1xf32>
    %select_n3A_449 = arith.select %gt3A_445, %add3A_444, %select_n3A_405 : vector<1024x1xi1>, vector<1024x1xi32>
    %select_n3A_450 = arith.select %gt3A_446, %bitcast_convert_type3A_434, %select_n3A_407 : vector<1024x1xi1>, vector<1024x1xf32>
    %select_n3A_451 = arith.select %gt3A_445, %select_n3A_404, %select_n3A_450 : vector<1024x1xi1>, vector<1024x1xf32>
    %select_n3A_452 = arith.select %gt3A_446, %add3A_444, %select_n3A_409 : vector<1024x1xi1>, vector<1024x1xi32>
    %select_n3A_453 = arith.select %gt3A_445, %select_n3A_405, %select_n3A_452 : vector<1024x1xi1>, vector<1024x1xi32>
    %or3A_454 = arith.ori %gt3A_445, %gt3A_446 : vector<1024x1xi1>
    %select_n3A_455 = arith.select %gt3A_447, %bitcast_convert_type3A_434, %select_n3A_412 : vector<1024x1xi1>, vector<1024x1xf32>
    %select_n3A_456 = arith.select %or3A_454, %select_n3A_407, %select_n3A_455 : vector<1024x1xi1>, vector<1024x1xf32>
    %or3A_457 = arith.ori %gt3A_445, %gt3A_446 : vector<1024x1xi1>
    %select_n3A_458 = arith.select %gt3A_447, %add3A_444, %select_n3A_415 : vector<1024x1xi1>, vector<1024x1xi32>
    %select_n3A_459 = arith.select %or3A_457, %select_n3A_409, %select_n3A_458 : vector<1024x1xi1>, vector<1024x1xi32>
    %reduce_max3A_460 = arith.constant dense<-2147483648> : vector<1024xi32>
    %reduce_max3A_461 = vector.multi_reduction <maxsi>, %select_n3A_423, %reduce_max3A_460 [1] : vector<1024x128xi32> to vector<1024xi32>
    %broadcast_in_dim3A_462 = vector.shape_cast %reduce_max3A_461 : vector<1024xi32> to vector<1024x1xi32>
    %and3A_463 = arith.constant -8192 : i32
    %and3A_464 = vector.broadcast %and3A_463 : i32 to vector<1024x1xi32>
    %and3A_465 = arith.andi %broadcast_in_dim3A_462, %and3A_464 : vector<1024x1xi32>
    %shift_right_arithmetic3A_466 = arith.constant 31 : i32
    %shift_right_arithmetic3A_467 = vector.broadcast %shift_right_arithmetic3A_466 : i32 to vector<1024x1xi32>
    %shift_right_arithmetic3A_468 = arith.shrsi %and3A_465, %shift_right_arithmetic3A_467 : vector<1024x1xi32>
    %and3A_469 = arith.constant 2147483647 : i32
    %and3A_470 = vector.broadcast %and3A_469 : i32 to vector<1024x1xi32>
    %and3A_471 = arith.andi %shift_right_arithmetic3A_468, %and3A_470 : vector<1024x1xi32>
    %xor3A_472 = arith.xori %and3A_465, %and3A_471 : vector<1024x1xi32>
    %bitcast_convert_type3A_473 = tpu.bitcast %xor3A_472 : vector<1024x1xi32> -> vector<1024x1xf32>
    %mul3A_474 = arith.constant 8192 : i32
    %mul3A_475 = arith.muli %arg0, %mul3A_474 : i32
    %and3A_476 = arith.constant 8191 : i32
    %and3A_477 = vector.broadcast %and3A_476 : i32 to vector<1024x1xi32>
    %and3A_478 = arith.andi %broadcast_in_dim3A_462, %and3A_477 : vector<1024x1xi32>
    %sub3A_479 = arith.constant 8191 : i32
    %sub3A_480 = vector.broadcast %sub3A_479 : i32 to vector<1024x1xi32>
    %sub3A_481 = arith.subi %sub3A_480, %and3A_478 : vector<1024x1xi32>
    %add3A_482 = vector.broadcast %mul3A_475 : i32 to vector<1024x1xi32>
    %add3A_483 = arith.addi %add3A_482, %sub3A_481 : vector<1024x1xi32>
    %gt3A_484 = arith.cmpf ogt, %bitcast_convert_type3A_473, %select_n3A_448 : vector<1024x1xf32>
    %gt3A_485 = arith.cmpf ogt, %bitcast_convert_type3A_473, %select_n3A_451 : vector<1024x1xf32>
    %gt3A_486 = arith.cmpf ogt, %bitcast_convert_type3A_473, %select_n3A_456 : vector<1024x1xf32>
    %select_n3A_487 = arith.select %gt3A_484, %bitcast_convert_type3A_473, %select_n3A_448 : vector<1024x1xi1>, vector<1024x1xf32>
    %select_n3A_488 = arith.select %gt3A_484, %add3A_483, %select_n3A_449 : vector<1024x1xi1>, vector<1024x1xi32>
    %select_n3A_489 = arith.select %gt3A_485, %bitcast_convert_type3A_473, %select_n3A_451 : vector<1024x1xi1>, vector<1024x1xf32>
    %select_n3A_490 = arith.select %gt3A_484, %select_n3A_448, %select_n3A_489 : vector<1024x1xi1>, vector<1024x1xf32>
    %select_n3A_491 = arith.select %gt3A_485, %add3A_483, %select_n3A_453 : vector<1024x1xi1>, vector<1024x1xi32>
    %select_n3A_492 = arith.select %gt3A_484, %select_n3A_449, %select_n3A_491 : vector<1024x1xi1>, vector<1024x1xi32>
    %or3A_493 = arith.ori %gt3A_484, %gt3A_485 : vector<1024x1xi1>
    %select_n3A_494 = arith.select %gt3A_486, %bitcast_convert_type3A_473, %select_n3A_456 : vector<1024x1xi1>, vector<1024x1xf32>
    %select_n3A_495 = arith.select %or3A_493, %select_n3A_451, %select_n3A_494 : vector<1024x1xi1>, vector<1024x1xf32>
    %or3A_496 = arith.ori %gt3A_484, %gt3A_485 : vector<1024x1xi1>
    %select_n3A_497 = arith.select %gt3A_486, %add3A_483, %select_n3A_459 : vector<1024x1xi1>, vector<1024x1xi32>
    %select_n3A_498 = arith.select %or3A_496, %select_n3A_453, %select_n3A_497 : vector<1024x1xi1>, vector<1024x1xi32>
    %swap3A_499 = arith.constant 0 : index
    %swap3A_500 = arith.constant 0 : index
    %swap3A_501 = vector.load %arg9[%swap3A_499, %swap3A_500] : memref<1024x1xf32, #tpu.memory_space<vmem>>, vector<1024x1xf32>
    tpu.vector_store %arg9[%swap3A_499, %swap3A_500], %select_n3A_487 {strides = array<i32>} : memref<1024x1xf32, #tpu.memory_space<vmem>>, vector<1024x1xf32>,
    %swap3A_502 = arith.constant 0 : index
    %swap3A_503 = arith.constant 0 : index
    %swap3A_504 = vector.load %arg10[%swap3A_502, %swap3A_503] : memref<1024x1xf32, #tpu.memory_space<vmem>>, vector<1024x1xf32>
    tpu.vector_store %arg10[%swap3A_502, %swap3A_503], %select_n3A_490 {strides = array<i32>} : memref<1024x1xf32, #tpu.memory_space<vmem>>, vector<1024x1xf32>,
    %swap3A_505 = arith.constant 0 : index
    %swap3A_506 = arith.constant 0 : index
    %swap3A_507 = vector.load %arg11[%swap3A_505, %swap3A_506] : memref<1024x1xf32, #tpu.memory_space<vmem>>, vector<1024x1xf32>
    tpu.vector_store %arg11[%swap3A_505, %swap3A_506], %select_n3A_495 {strides = array<i32>} : memref<1024x1xf32, #tpu.memory_space<vmem>>, vector<1024x1xf32>,
    %swap3A_508 = arith.constant 0 : index
    %swap3A_509 = arith.constant 0 : index
    %swap3A_510 = vector.load %arg12[%swap3A_508, %swap3A_509] : memref<1024x1xi32, #tpu.memory_space<vmem>>, vector<1024x1xi32>
    tpu.vector_store %arg12[%swap3A_508, %swap3A_509], %select_n3A_488 {strides = array<i32>} : memref<1024x1xi32, #tpu.memory_space<vmem>>, vector<1024x1xi32>,
    %swap3A_511 = arith.constant 0 : index
    %swap3A_512 = arith.constant 0 : index
    %swap3A_513 = vector.load %arg13[%swap3A_511, %swap3A_512] : memref<1024x1xi32, #tpu.memory_space<vmem>>, vector<1024x1xi32>
    tpu.vector_store %arg13[%swap3A_511, %swap3A_512], %select_n3A_492 {strides = array<i32>} : memref<1024x1xi32, #tpu.memory_space<vmem>>, vector<1024x1xi32>,
    %swap3A_514 = arith.constant 0 : index
    %swap3A_515 = arith.constant 0 : index
    %swap3A_516 = vector.load %arg14[%swap3A_514, %swap3A_515] : memref<1024x1xi32, #tpu.memory_space<vmem>>, vector<1024x1xi32>
    tpu.vector_store %arg14[%swap3A_514, %swap3A_515], %select_n3A_498 {strides = array<i32>} : memref<1024x1xi32, #tpu.memory_space<vmem>>, vector<1024x1xi32>,
    %eq3A_517 = arith.constant 12 : i32
    %eq3A_518 = arith.cmpi eq, %arg0, %eq3A_517 : i32
    %convert_element_type3A_519 = arith.extui %eq3A_518 : i1 to i32
    %cond3A_520 = arith.constant 0 : i32
    %cond3A_521 = arith.cmpi ne, %convert_element_type3A_519, %cond3A_520 : i32
    scf.if %cond3A_521 {
      %get3A_522 = arith.constant 0 : index
      %get3A_523 = arith.constant 0 : index
      %get3A_524 = vector.load %arg6[%get3A_522, %get3A_523] : memref<1024x1xf32, #tpu.memory_space<vmem>>, vector<1024x1xf32>
      %sub3A_525 = arith.constant 6.496000e+03 : f32
      %sub3A_526 = vector.broadcast %sub3A_525 : f32 to vector<1024x1xf32>
      %sub3A_527 = arith.subf %get3A_524, %sub3A_526 : vector<1024x1xf32>
      %get3A_528 = arith.constant 0 : index
      %get3A_529 = arith.constant 0 : index
      %get3A_530 = vector.load %arg5[%get3A_528, %get3A_529] : memref<1024x1xf32, #tpu.memory_space<vmem>>, vector<1024x1xf32>
      %get3A_531 = arith.constant 0 : index
      %get3A_532 = arith.constant 0 : index
      %get3A_533 = vector.load %arg7[%get3A_531, %get3A_532] : memref<1024x1xf32, #tpu.memory_space<vmem>>, vector<1024x1xf32>
      %broadcast_in_dim3A_534 = arith.constant 0.000000e+00 : f32
      %broadcast_in_dim3A_535 = vector.broadcast %broadcast_in_dim3A_534 : f32 to vector<1024x1xf32>
      %concatenate3A = tpu.concatenate %get3A_530, %sub3A_527, %get3A_533, %broadcast_in_dim3A_535 in 1 : vector<1024x1xf32>, vector<1024x1xf32>, vector<1024x1xf32>, vector<1024x1xf32> -> vector<1024x4xf32>
      %swap3A_536 = arith.constant 0 : index
      %swap3A_537 = arith.constant 0 : index
      %swap3A_538 = vector.load %arg3[%swap3A_536, %swap3A_537] : memref<1024x4xf32, #tpu.memory_space<vmem>>, vector<1024x4xf32>
      tpu.vector_store %arg3[%swap3A_536, %swap3A_537], %concatenate3A {strides = array<i32>} : memref<1024x4xf32, #tpu.memory_space<vmem>>, vector<1024x4xf32>,
      %get3A_539 = arith.constant 0 : index
      %get3A_540 = arith.constant 0 : index
      %get3A_541 = vector.load %arg8[%get3A_539, %get3A_540] : memref<1024x1xi32, #tpu.memory_space<vmem>>, vector<1024x1xi32>
      %get3A_542 = arith.constant 0 : index
      %get3A_543 = arith.constant 0 : index
      %get3A_544 = vector.load %arg12[%get3A_542, %get3A_543] : memref<1024x1xi32, #tpu.memory_space<vmem>>, vector<1024x1xi32>
      %get3A_545 = arith.constant 0 : index
      %get3A_546 = arith.constant 0 : index
      %get3A_547 = vector.load %arg13[%get3A_545, %get3A_546] : memref<1024x1xi32, #tpu.memory_space<vmem>>, vector<1024x1xi32>
      %get3A_548 = arith.constant 0 : index
      %get3A_549 = arith.constant 0 : index
      %get3A_550 = vector.load %arg14[%get3A_548, %get3A_549] : memref<1024x1xi32, #tpu.memory_space<vmem>>, vector<1024x1xi32>
      %concatenate3A_551 = tpu.concatenate %get3A_541, %get3A_544, %get3A_547, %get3A_550 in 1 : vector<1024x1xi32>, vector<1024x1xi32>, vector<1024x1xi32>, vector<1024x1xi32> -> vector<1024x4xi32>
      %swap3A_552 = arith.constant 0 : index
      %swap3A_553 = arith.constant 0 : index
      %swap3A_554 = vector.load %arg4[%swap3A_552, %swap3A_553] : memref<1024x4xi32, #tpu.memory_space<vmem>>, vector<1024x4xi32>
      tpu.vector_store %arg4[%swap3A_552, %swap3A_553], %concatenate3A_551 {strides = array<i32>} : memref<1024x4xi32, #tpu.memory_space<vmem>>, vector<1024x4xi32>,
    } else {
    }
    return
  }
  func.func @transform_0(%arg0: i32) -> (i32, i32) {
    %c0_i32 = arith.constant 0 : i32
    %c0_i32_0 = arith.constant 0 : i32
    %c0_i32_1 = arith.constant 0 : i32
    return %c0_i32, %c0_i32_0 : i32, i32
  }
  func.func @transform_1(%arg0: i32) -> (i32, i32) {
    %c0_i32 = arith.constant 0 : i32
    %c0_i32_0 = arith.constant 0 : i32
    return %arg0, %c0_i32 : i32, i32
  }
  func.func @transform_2(%arg0: i32) -> (i32, i32) {
    %c0_i32 = arith.constant 0 : i32
    %c0_i32_0 = arith.constant 0 : i32
    %c0_i32_1 = arith.constant 0 : i32
    return %c0_i32, %c0_i32_0 : i32, i32
  }
  func.func @transform_3(%arg0: i32) -> (i32, i32) {
    %c0_i32 = arith.constant 0 : i32
    %c0_i32_0 = arith.constant 0 : i32
    %c0_i32_1 = arith.constant 0 : i32
    return %c0_i32, %c0_i32_0 : i32, i32
  }
}

module attributes {stable_mosaic.version = 14 : i64} {
  func.func @_epi_body(%arg0: memref<1024x4xf32, #tpu.memory_space<vmem>>, %arg1: memref<1024x1xf32, #tpu.memory_space<vmem>>, %arg2: memref<1024x64xf32, #tpu.memory_space<vmem>>, %arg3: memref<1024x64xf32, #tpu.memory_space<vmem>>, %arg4: memref<1024x64xf32, #tpu.memory_space<vmem>>, %arg5: memref<1024x64xf32, #tpu.memory_space<vmem>>, %arg6: memref<1024x1xf32, #tpu.memory_space<vmem>>) attributes {dimension_semantics = [], scalar_prefetch = 0 : i64, scratch_operands = 0 : i64, tpu.core_type = #tpu.core_type<tc>} {
    %get3A = arith.constant 0 : index
    %get3A_0 = arith.constant 0 : index
    %get3A_1 = vector.load %arg0[%get3A, %get3A_0] : memref<1024x4xf32, #tpu.memory_space<vmem>>, vector<1024x4xf32>
    %slice3A = vector.extract_strided_slice %get3A_1 {offsets = [0, 0], sizes = [1024, 1], strides = [1, 1]} : vector<1024x4xf32> to vector<1024x1xf32>
    %slice3A_2 = vector.extract_strided_slice %get3A_1 {offsets = [0, 1], sizes = [1024, 1], strides = [1, 1]} : vector<1024x4xf32> to vector<1024x1xf32>
    %slice3A_3 = vector.extract_strided_slice %get3A_1 {offsets = [0, 2], sizes = [1024, 1], strides = [1, 1]} : vector<1024x4xf32> to vector<1024x1xf32>
    %get3A_4 = arith.constant 0 : index
    %get3A_5 = arith.constant 0 : index
    %get3A_6 = vector.load %arg1[%get3A_4, %get3A_5] : memref<1024x1xf32, #tpu.memory_space<vmem>>, vector<1024x1xf32>
    %get3A_7 = arith.constant 0 : index
    %get3A_8 = arith.constant 0 : index
    %get3A_9 = vector.load %arg2[%get3A_7, %get3A_8] : memref<1024x64xf32, #tpu.memory_space<vmem>>, vector<1024x64xf32>
    %log3A = math.log %slice3A_2 : vector<1024x1xf32>
    %div3A = arith.divf %slice3A_3, %slice3A_2 : vector<1024x1xf32>
    %sub3A = arith.subf %log3A, %div3A : vector<1024x1xf32>
    %sub3A_10 = arith.subf %slice3A, %log3A : vector<1024x1xf32>
    %exp3A = math.exp %sub3A_10 : vector<1024x1xf32>
    %ge3A = arith.cmpf oge, %exp3A, %get3A_6 : vector<1024x1xf32>
    %convert_element_type3A = arith.extui %ge3A : vector<1024x1xi1> to vector<1024x1xi32>
    %convert_element_type3A_11 = arith.sitofp %convert_element_type3A : vector<1024x1xi32> to vector<1024x1xf32>
    %mul3A = arith.mulf %convert_element_type3A_11, %sub3A : vector<1024x1xf32>
    %sub3A_12 = arith.constant 1.000000e+00 : f32
    %sub3A_13 = vector.broadcast %sub3A_12 : f32 to vector<1024x1xf32>
    %sub3A_14 = arith.subf %sub3A_13, %convert_element_type3A_11 : vector<1024x1xf32>
    %log3A_15 = arith.constant 1.000000e+05 : f32
    %log3A_16 = math.log %log3A_15 : f32
    %mul3A_17 = vector.broadcast %log3A_16 : f32 to vector<1024x1xf32>
    %mul3A_18 = arith.mulf %sub3A_14, %mul3A_17 : vector<1024x1xf32>
    %add3A = arith.addf %mul3A, %mul3A_18 : vector<1024x1xf32>
    %get3A_19 = arith.constant 0 : index
    %get3A_20 = arith.constant 0 : index
    %get3A_21 = vector.load %arg3[%get3A_19, %get3A_20] : memref<1024x64xf32, #tpu.memory_space<vmem>>, vector<1024x64xf32>
    %sub3A_22 = arith.subf %get3A_9, %get3A_21 : vector<1024x64xf32>
    %mul3A_23 = arith.constant 1.000000e+03 : f32
    %mul3A_24 = vector.broadcast %mul3A_23 : f32 to vector<1024x64xf32>
    %mul3A_25 = arith.mulf %sub3A_22, %mul3A_24 : vector<1024x64xf32>
    %mul3A_26 = arith.mulf %mul3A_25, %mul3A_25 : vector<1024x64xf32>
    %reduce_sum3A = arith.constant dense<0.000000e+00> : vector<1024xf32>
    %reduce_sum3A_27 = vector.multi_reduction <add>, %mul3A_26, %reduce_sum3A [1] : vector<1024x64xf32> to vector<1024xf32>
    %broadcast_in_dim3A = vector.shape_cast %reduce_sum3A_27 : vector<1024xf32> to vector<1024x1xf32>
    %sqrt3A = math.sqrt %broadcast_in_dim3A : vector<1024x1xf32>
    %max3A = arith.constant 9.99999996E-13 : f32
    %max3A_28 = vector.broadcast %max3A : f32 to vector<1024x1xf32>
    %max3A_29 = arith.maximumf %sqrt3A, %max3A_28 : vector<1024x1xf32>
    %div3A_30 = vector.broadcast %max3A_29 : vector<1024x1xf32> to vector<1024x64xf32>
    %div3A_31 = arith.divf %mul3A_25, %div3A_30 : vector<1024x64xf32>
    %mul3A_32 = arith.mulf %div3A_31, %div3A_31 : vector<1024x64xf32>
    %reduce_sum3A_33 = arith.constant dense<0.000000e+00> : vector<1024xf32>
    %reduce_sum3A_34 = vector.multi_reduction <add>, %mul3A_32, %reduce_sum3A_33 [1] : vector<1024x64xf32> to vector<1024xf32>
    %broadcast_in_dim3A_35 = vector.shape_cast %reduce_sum3A_34 : vector<1024xf32> to vector<1024x1xf32>
    %sqrt3A_36 = math.sqrt %broadcast_in_dim3A_35 : vector<1024x1xf32>
    %get3A_37 = arith.constant 0 : index
    %get3A_38 = arith.constant 0 : index
    %get3A_39 = vector.load %arg4[%get3A_37, %get3A_38] : memref<1024x64xf32, #tpu.memory_space<vmem>>, vector<1024x64xf32>
    %sub3A_40 = arith.subf %get3A_9, %get3A_39 : vector<1024x64xf32>
    %mul3A_41 = arith.constant 1.000000e+03 : f32
    %mul3A_42 = vector.broadcast %mul3A_41 : f32 to vector<1024x64xf32>
    %mul3A_43 = arith.mulf %sub3A_40, %mul3A_42 : vector<1024x64xf32>
    %mul3A_44 = arith.mulf %mul3A_43, %mul3A_43 : vector<1024x64xf32>
    %reduce_sum3A_45 = arith.constant dense<0.000000e+00> : vector<1024xf32>
    %reduce_sum3A_46 = vector.multi_reduction <add>, %mul3A_44, %reduce_sum3A_45 [1] : vector<1024x64xf32> to vector<1024xf32>
    %broadcast_in_dim3A_47 = vector.shape_cast %reduce_sum3A_46 : vector<1024xf32> to vector<1024x1xf32>
    %sqrt3A_48 = math.sqrt %broadcast_in_dim3A_47 : vector<1024x1xf32>
    %max3A_49 = arith.constant 9.99999996E-13 : f32
    %max3A_50 = vector.broadcast %max3A_49 : f32 to vector<1024x1xf32>
    %max3A_51 = arith.maximumf %sqrt3A_48, %max3A_50 : vector<1024x1xf32>
    %div3A_52 = vector.broadcast %max3A_51 : vector<1024x1xf32> to vector<1024x64xf32>
    %div3A_53 = arith.divf %mul3A_43, %div3A_52 : vector<1024x64xf32>
    %mul3A_54 = arith.mulf %div3A_53, %div3A_53 : vector<1024x64xf32>
    %reduce_sum3A_55 = arith.constant dense<0.000000e+00> : vector<1024xf32>
    %reduce_sum3A_56 = vector.multi_reduction <add>, %mul3A_54, %reduce_sum3A_55 [1] : vector<1024x64xf32> to vector<1024xf32>
    %broadcast_in_dim3A_57 = vector.shape_cast %reduce_sum3A_56 : vector<1024xf32> to vector<1024x1xf32>
    %sqrt3A_58 = math.sqrt %broadcast_in_dim3A_57 : vector<1024x1xf32>
    %get3A_59 = arith.constant 0 : index
    %get3A_60 = arith.constant 0 : index
    %get3A_61 = vector.load %arg5[%get3A_59, %get3A_60] : memref<1024x64xf32, #tpu.memory_space<vmem>>, vector<1024x64xf32>
    %sub3A_62 = arith.subf %get3A_9, %get3A_61 : vector<1024x64xf32>
    %mul3A_63 = arith.constant 1.000000e+03 : f32
    %mul3A_64 = vector.broadcast %mul3A_63 : f32 to vector<1024x64xf32>
    %mul3A_65 = arith.mulf %sub3A_62, %mul3A_64 : vector<1024x64xf32>
    %mul3A_66 = arith.mulf %mul3A_65, %mul3A_65 : vector<1024x64xf32>
    %reduce_sum3A_67 = arith.constant dense<0.000000e+00> : vector<1024xf32>
    %reduce_sum3A_68 = vector.multi_reduction <add>, %mul3A_66, %reduce_sum3A_67 [1] : vector<1024x64xf32> to vector<1024xf32>
    %broadcast_in_dim3A_69 = vector.shape_cast %reduce_sum3A_68 : vector<1024xf32> to vector<1024x1xf32>
    %sqrt3A_70 = math.sqrt %broadcast_in_dim3A_69 : vector<1024x1xf32>
    %max3A_71 = arith.constant 9.99999996E-13 : f32
    %max3A_72 = vector.broadcast %max3A_71 : f32 to vector<1024x1xf32>
    %max3A_73 = arith.maximumf %sqrt3A_70, %max3A_72 : vector<1024x1xf32>
    %div3A_74 = vector.broadcast %max3A_73 : vector<1024x1xf32> to vector<1024x64xf32>
    %div3A_75 = arith.divf %mul3A_65, %div3A_74 : vector<1024x64xf32>
    %mul3A_76 = arith.mulf %div3A_75, %div3A_75 : vector<1024x64xf32>
    %reduce_sum3A_77 = arith.constant dense<0.000000e+00> : vector<1024xf32>
    %reduce_sum3A_78 = vector.multi_reduction <add>, %mul3A_76, %reduce_sum3A_77 [1] : vector<1024x64xf32> to vector<1024xf32>
    %broadcast_in_dim3A_79 = vector.shape_cast %reduce_sum3A_78 : vector<1024xf32> to vector<1024x1xf32>
    %sqrt3A_80 = math.sqrt %broadcast_in_dim3A_79 : vector<1024x1xf32>
    %min3A = arith.minimumf %sqrt3A_36, %sqrt3A_58 : vector<1024x1xf32>
    %min3A_81 = arith.minimumf %min3A, %sqrt3A_80 : vector<1024x1xf32>
    %neg3A = arith.constant 0.000000e+00 : f32
    %neg3A_82 = vector.broadcast %neg3A : f32 to vector<1024x1xf32>
    %neg3A_83 = arith.subf %neg3A_82, %min3A_81 : vector<1024x1xf32>
    %exp3A_84 = math.exp %neg3A_83 : vector<1024x1xf32>
    %neg3A_85 = arith.constant 0.000000e+00 : f32
    %neg3A_86 = vector.broadcast %neg3A_85 : f32 to vector<1024x1xf32>
    %neg3A_87 = arith.subf %neg3A_86, %sqrt3A_36 : vector<1024x1xf32>
    %exp3A_88 = math.exp %neg3A_87 : vector<1024x1xf32>
    %neg3A_89 = arith.constant 0.000000e+00 : f32
    %neg3A_90 = vector.broadcast %neg3A_89 : f32 to vector<1024x1xf32>
    %neg3A_91 = arith.subf %neg3A_90, %sqrt3A_58 : vector<1024x1xf32>
    %exp3A_92 = math.exp %neg3A_91 : vector<1024x1xf32>
    %add3A_93 = arith.addf %exp3A_88, %exp3A_92 : vector<1024x1xf32>
    %neg3A_94 = arith.constant 0.000000e+00 : f32
    %neg3A_95 = vector.broadcast %neg3A_94 : f32 to vector<1024x1xf32>
    %neg3A_96 = arith.subf %neg3A_95, %sqrt3A_80 : vector<1024x1xf32>
    %exp3A_97 = math.exp %neg3A_96 : vector<1024x1xf32>
    %add3A_98 = arith.addf %add3A_93, %exp3A_97 : vector<1024x1xf32>
    %div3A_99 = arith.divf %exp3A_84, %add3A_98 : vector<1024x1xf32>
    %log3A_100 = math.log %div3A_99 : vector<1024x1xf32>
    %neg3A_101 = arith.constant 0.000000e+00 : f32
    %neg3A_102 = vector.broadcast %neg3A_101 : f32 to vector<1024x1xf32>
    %neg3A_103 = arith.subf %neg3A_102, %log3A_100 : vector<1024x1xf32>
    %add3A_104 = arith.addf %add3A, %neg3A_103 : vector<1024x1xf32>
    %swap3A = arith.constant 0 : index
    %swap3A_105 = arith.constant 0 : index
    %swap3A_106 = vector.load %arg6[%swap3A, %swap3A_105] : memref<1024x1xf32, #tpu.memory_space<vmem>>, vector<1024x1xf32>
    tpu.vector_store %arg6[%swap3A, %swap3A_105], %add3A_104 {strides = array<i32>} : memref<1024x1xf32, #tpu.memory_space<vmem>>, vector<1024x1xf32>,
    return
  }
}

</mosaic_0001>

<sc_bundles>
// kernel: kernel.5.cloned.1.call-start
scs
__scs_entry_jumppad:
0x0: {  	(pc) =	sbr.rel $0x88, $3  }
0x1: {  	(tag) =	ssettag $0x0;
	lr =	simm.s32 $0x1  }
0x2: {  	[smem:$0x3F9E] =	sst lr;
	_ =	strace $0xD0000000  }
0x3: {  	_ = 	snop  }
0x4: {  	_ = 	snop  }
0x5: {  	_ = 	snop  }
0x6: {  	_ = 	snop  }
0x7: {  	_ = 	snop  }
__scs_overlays_trampoline_lowered:
0x8: {  	[smem:$0x3FAD] =	sst s0  }
0x9: {  	[smem:$0x3FAE] =	sst s1  }
0xa: {  	[smem:$0x3FAF] =	sst s2  }
0xb: {  	[smem:$0x3FB0] =	sst s3  }
0xc: {  	[smem:$0x3FB1] =	sst s4  }
0xd: {  	[smem:$0x3FB2] =	sst s5  }
0xe: {  	[smem:$0x3FB3] =	sst s6  }
0xf: {  	[smem:$0x3FB4] =	sst s7  }
0x10: {  	[smem:$0x3FB5] =	sst s8  }
0x11: {  	[smem:$0x3FB6] =	sst s9;
	s0 =	simm.s32 @!p0 $0x0  }
0x12: {  	s1 =	sld [smem:$0x3F9C];
	s0 =	simm.s32 @p0 $0x1  }
0x13: {  	[smem:$0x3FB7] =	sst s0;
	s0 =	simm.s32 @!p1 $0x0  }
0x14: {  	s2 =	sld [smem:$0x3F9B];
	s0 =	simm.s32 @p1 $0x1  }
0x15: {  	[smem:$0x3FB8] =	sst s0;
	s0 =	simm.s32 @!p2 $0x0  }
0x16: {  	s3 =	sld [smem:$0x3FDB];
	s0 =	simm.s32 @p2 $0x1  }
0x17: {  	s4 =	simm.s32 $0x1BF5;
	[smem:$0x3FBA] =	sst s0  }
0x18: {  	s0 =	sld [smem:$0x3F9D];
	_ =	swait.ge [sflag:s4], $0x0  }
0x19: {  	s7 =	sld [smem:$0x3F9E]  }
0x1a: {  	s8 =	sadd.s32 $0xFFFFE003, lr  }
0x1b: {  	s9 =	sadd.s32 $0xFFFFFEF7, lr;
	s5 =	simm.s32 $0xFFFFFFFF;
	p2 =	slt.u32 s8, $0xFFFFF086  }
0x1c: {  	p1 =	slt.u32 s9, $0xF7A;
	s5 =	simm.s32 @!p2 $0x0  }
0x1d: {  	s5 =	simm.s32 @p1 $0x1;
	p0 =	seq.s32 s7, s2  }
0x1e: {  	s7 =	smul.u32 @!p0 $0xF7A, s2;
	p2 =	seq.s32 @!p0 s5, $0x0  }
0x1f: {  	s9 =	smul.u32 $0xF7A, s1;
	s8 =	simm.s32 @!p0 $0x1BF5;
	p2 =	por !p2, p0  }
0x20: {  	[sflag:s8] =	ssyncset.s32 @!p0 $0xFFFFF086;
	s6 =	sadd.s32 @!p0 s3, s7;
	s7 =	simm.s32 @!p0 $0x108  }
0x21: {  	s3 =	sadd.s32 s3, s9;
	s6 =	sadd.s32 @!p0 $0x88, s6;
	s7 =	simm.s32 @p2 $0x1082  }
0x22: {  	[simem:s7], [sflag:s8] =	dma.local @!p0 [hbm:s6], $0xF7A  }
0x23: {  	s9 =	sor.u32 $0xD0000000, s2;
	s6 =	simm.s32 $0x108;
	_ =	swait.ge @!p0 [sflag:s8], $0x0  }
0x24: {  	s3 =	sadd.s32 $0x88, s3;
	s6 =	simm.s32 @!p1 $0x1082;
	[sflag:s4] =	ssyncset.s32 $0xFFFFF086  }
0x25: {  	[simem:s6], [sflag:s4] =	dma.local [hbm:s3], $0xF7A  }
0x26: {  	[smem:$0x3F9E] =	sst s1;
	(tag) =	ssettag s2;
	_ =	strace s9  }
0x27: {  	s1 =	sld [smem:$0x3FAE]  }
0x28: {  	s2 =	sld [smem:$0x3FAF]  }
0x29: {  	s4 =	sld [smem:$0x3FB1]  }
0x2a: {  	p0 =	seq.s32 s5, $0x0;
	s5 =	sld [smem:$0x3FB2]  }
0x2b: {  	s6 =	sld [smem:$0x3FB3]  }
0x2c: {  	s7 =	sld [smem:$0x3FB4]  }
0x2d: {  	s3 =	simm.s32 $0x108;
	s8 =	sld [smem:$0x3FB5]  }
0x2e: {  	s3 =	simm.s32 @!p0 $0x1082;
	s9 =	sld [smem:$0x3FB6]  }
0x2f: {  	lr =	sadd.s32 s0, s3;
	s0 =	sld [smem:$0x3FAD]  }
0x30: {  	s3 =	sld [smem:$0x3FB0]  }
0x31: {  	[smem:$0x3FB9] =	sst s10  }
0x32: {  	s10 =	sld [smem:$0x3FB7];
	_ =	sdelay $0x3  }
0x33: {  	p0 =	seq.s32 s10, $0x1;
	s10 =	sld [smem:$0x3FB9];
	_ =	sdelay $0x3  }
0x34: {  	[smem:$0x3FB9] =	sst s10  }
0x35: {  	s10 =	sld [smem:$0x3FB8];
	_ =	sdelay $0x3  }
0x36: {  	p1 =	seq.s32 s10, $0x1;
	s10 =	sld [smem:$0x3FB9];
	_ =	sdelay $0x3  }
0x37: {  	[smem:$0x3FB9] =	sst s10  }
0x38: {  	s10 =	sld [smem:$0x3FBA]  }
0x39: {  	_ = 	snop;
	(pc) =	sbr.ind lr, $3  }
0x3a: {  	_ = 	snop  }
0x3b: {  	_ = 	snop  }
0x3c: {  	p2 =	seq.s32 s10, $0x1;
	s10 =	sld [smem:$0x3FB9]  }
0x3d: {  	_ =	shalt  }
0x3e: {  	_ =	shalt  }
0x3f: {  	_ =	shalt  }
0x40: {  	_ =	shalt  }
0x41: {  	_ =	shalt  }
0x42: {  	_ =	shalt  }
0x43: {  	_ =	shalt  }
0x44: {  	_ =	shalt  }
0x45: {  	_ =	shalt  }
0x46: {  	_ =	shalt  }
0x47: {  	_ =	shalt  }
0x48: {  	_ =	shalt  }
0x49: {  	_ =	shalt  }
0x4a: {  	_ =	shalt  }
0x4b: {  	_ =	shalt  }
0x4c: {  	_ =	shalt  }
0x4d: {  	_ =	shalt  }
0x4e: {  	_ =	shalt  }
0x4f: {  	_ =	shalt  }
0x50: {  	_ =	shalt  }
0x51: {  	_ =	shalt  }
0x52: {  	_ =	shalt  }
0x53: {  	_ =	shalt  }
0x54: {  	_ =	shalt  }
0x55: {  	_ =	shalt  }
0x56: {  	_ =	shalt  }
0x57: {  	_ =	shalt  }
0x58: {  	_ =	shalt  }
0x59: {  	_ =	shalt  }
0x5a: {  	_ =	shalt  }
0x5b: {  	_ =	shalt  }
0x5c: {  	_ =	shalt  }
0x5d: {  	_ =	shalt  }
0x5e: {  	_ =	shalt  }
0x5f: {  	_ =	shalt  }
0x60: {  	_ =	shalt  }
0x61: {  	_ =	shalt  }
0x62: {  	_ =	shalt  }
0x63: {  	_ =	shalt  }
0x64: {  	_ =	shalt  }
0x65: {  	_ =	shalt  }
0x66: {  	_ =	shalt  }
0x67: {  	_ =	shalt  }
0x68: {  	_ =	shalt  }
0x69: {  	_ =	shalt  }
0x6a: {  	_ =	shalt  }
0x6b: {  	_ =	shalt  }
0x6c: {  	_ =	shalt  }
0x6d: {  	_ =	shalt  }
0x6e: {  	_ =	shalt  }
0x6f: {  	_ =	shalt  }
0x70: {  	_ =	shalt  }
0x71: {  	_ =	shalt  }
0x72: {  	_ =	shalt  }
0x73: {  	_ =	shalt  }
0x74: {  	_ =	shalt  }
0x75: {  	_ =	shalt  }
0x76: {  	_ =	shalt  }
0x77: {  	_ =	shalt  }
0x78: {  	_ =	shalt  }
0x79: {  	_ =	shalt  }
0x7a: {  	_ =	shalt  }
0x7b: {  	_ =	shalt  }
0x7c: {  	_ =	shalt  }
0x7d: {  	_ =	shalt  }
0x7e: {  	_ =	shalt  }
0x7f: {  	_ =	shalt  }
0x80: {  	_ =	shalt  }
0x81: {  	_ =	shalt  }
0x82: {  	_ =	shalt  }
0x83: {  	_ =	shalt  }
0x84: {  	_ =	shalt  }
0x85: {  	_ =	shalt  }
0x86: {  	_ =	shalt  }
0x87: {  	_ =	shalt  }
.Lfunc_end0:
.L_simem_size_0:
called_computation_lowered:
.L_overlay_start_0:
0x88: {  	s2 =	sld [smem:$0x3FD9]  }
0x89: {  	s3 =	sld [smem:$0x3FFE];
	_ =	sdelay $0x1  }
0x8a: {  	s1 =	srdreg.scid  }
0x8b: {  	s0 =	sand.u32 $0x1, s1  }
0x8c: {  	s17 =	sshll.u32 s0, $0xA;
	s2 =	sadd.s32 s3, s2  }
0x8d: {  	s2 =	sadd.s32 s2, s17  }
0x8e: {  	[smem:$0x3FC5] =	sst s2  }
0x8f: {  	_ = 	snop  }
0x90: {  	s2 =	sld [smem:$0x3FD0];
	(tm) =	ssettm $0x1  }
0x91: {  	s18 =	sld [smem:$0x3FFB];
	_ =	sdelay $0x3  }
0x92: {  	_ =	strace s18  }
0x93: {  	s3 =	sld [smem:$0x3FFC];
	_ =	sdelay $0x3  }
0x94: {  	_ =	strace s3  }
0x95: {  	s3 =	sld [smem:$0x3FFD];
	_ =	sdelay $0x3  }
0x96: {  	_ =	strace s3  }
0x97: {  	_ =	strace $0x8FFFFFFF  }
0x98: {  	s19 =	sld [smem:$0x3FDB];
	_ =	sdelay $0x1  }
0x99: {  	s4 =	simm.s32 $_scs_section_size  }
0x9a: {  	s5 =	simm.s32 $_size__tile_overlayer_lowered;
	s6 =	simm.s32 $_tile_overlayer_lowered  }
0x9b: {  	s22 =	simm.s32 $0x1BFF;
	s21 =	sshll.u32 s6, $0x1;
	s3 =	sadd.s32 s4, s19  }
0x9c: {  	s7 =	simm.s32 $0x0;
	s20 =	sshll.u32 s5, $0x1;
	s5 =	sadd.s32 s21, s3  }
0x9d: {  	[timem:s7], [sflag:s22] =	dma.local [hbm:s5], s20  }
0x9e: {  	_ =	swait.ge [sflag:s22], s20  }
0x9f: {  	s4 =	ssub.s32 $0x0, s20;
	[sflag:s22] =	ssyncset.done $0x0  }
0xa0: {  	[sflag:s22] =	ssyncadd.s32 s4;
	_ =	sdelay $0x1  }
0xa1: {  	s23 =	simm.s32 $0x1B8B  }
0xa2: {  	_ =	swait.ge [sflag:s23], $0x1  }
0xa3: {  	[sflag:s23] =	ssyncset.done $0x0  }
0xa4: {  	s25 =	simm.s32 $0x1B8E;
	s24 =	sld [smem:$0x3FFE];
	[sflag:s23] =	ssyncadd.s32 $0xFFFFFFFF  }
0xa5: {  	s26 =	simm.s32 $execute0_lowered;
	[smem:$0x3FD2] =	sst s25  }
0xa6: {  	s5 =	sshll.u32 s26, $0x1;
	_ =	strace $0x80000046;
	[dreg:$0x1] =	wrdreg $0xFFFFFFFF  }
0xa7: {  	s28 =	simm.s32 $_size_execute0_lowered;
	s3 =	sadd.s32 s3, s5;
	[dreg:$0x0] =	wrdreg $0x0  }
0xa8: {  	s5 =	sshll.u32 s28, $0x1;
	[dreg:$0x2] =	wrdreg s3  }
0xa9: {  	[dreg:$0x3] =	wrdreg s5  }
0xaa: {  	[dreg:$0x4] =	wrdreg $0xC0  }
0xab: {  	_ =	task [dreg:s7], $0x5FFFF  }
0xac: {  	[dreg:$0x1] =	wrdreg $0xFFFFFFFF  }
0xad: {  	[dreg:$0x0] =	wrdreg $0x60  }
0xae: {  	[dreg:$0x2] =	wrdreg s24  }
0xaf: {  	[dreg:$0x3] =	wrdreg s2  }
0xb0: {  	[dreg:$0x4] =	wrdreg $0x9  }
0xb1: {  	_ =	task.clear_ibuf [dreg:s7], $0x5FFFF;
	_ =	strace $0x90000046  }
0xb2: {  	s29 =	simm.s32 $0x9;
	_ =	strace $0x80000048  }
0xb3: {  	_ =	swait.ge [sflag:s29], $0x1  }
0xb4: {  	[sflag:s29] =	ssyncadd.s32 $0xFFFFFFFF  }
0xb5: {  	_ =	strace $0x90000048  }
0xb6: {  	_ =	sfence  }
0xb7: {  	s30 =	sld [smem:$0x0];
	_ =	sdelay $0x2  }
0xb8: {  	s31 =	sshll.u32 s1, $0xD;
	s1 =	sshrl.u32 s1, $0x2  }
0xb9: {  	s3 =	sand.u32 $0x4000, s31;
	s1 =	sadd.s32 s1, s30  }
0xba: {  	s0 =	sor.u32 s3, s0;
	s1 =	sshll.u32 s1, $0x11  }
0xbb: {  	s0 =	sor.u32 s1, s0  }
0xbc: {  	s0 =	sadd.s32 $0x8F2B, s0  }
0xbd: {  	[sflag:s0] =	ssyncadd.remote.s32 $0x1  }
0xbe: {  	_ =	sfence.sel $0xFFFF  }
0xbf: {  	[dreg:$0x0] =	wrdreg $0xFFFFFFFF;
	(pc) =	sbr.abs _section_cstart, $3  }
0xc0: {  	[dreg:$0x1] =	wrdreg $0xFFFFFFFF  }
0xc1: {  	_ =	task.clear_ibuf [dreg:s7], $0x2FFFF;
	_ =	strace $0x9FFFFFFF  }
0xc2: {  	(tm) =	ssettm $0x7FFFFFFF  }
0xc3: {  	_ =	shalt  }
tec
execute0_lowered:
.L_overlay_start_1:
0x0: {  	(tag) =	ssettag $0x1  }
0x1: {  	s1 =	srdreg.scid  }
0x2: {  	s0 =	stileid.u32;
	s15 =	sand.u32 $0x1, s1  }
0x3: {  	s30 =	sshll.u32 s0, $0x6;
	s2 =	sshll.u32 s15, $0x5  }
0x4: {  	s16 =	rddreg [dreg:$0x0];
	s17 =	sor.u32 s2, s30  }
0x5: {  	s13 =	rddreg [dreg:$0x1];
	s2 =	simm.s32 $0x0;
	s14 =	sshrl.u32 s17, $0x3  }
0x6: {  	s4 =	simm.s32 $0x2;
	[smem:$0x7FF] =	sst s2;
	s3 =	sadd.s32 s16, s14  }
0x7: {  	s1 =	rddreg [dreg:$0x2];
	_ =	strace $0x80000047;
	s5 =	sadd.s32 $0x400, s3  }
0x8: {  	[tilespmem:s2], [sflag:$0x2] =	stream.linear.gather [hbm4b:s5+s2], $0x20, $0x38;
	[tilespmem:$0xA20] =	vst v63  }
0x9: {  	_ =	swait.ge [sflag:s4], $0x20  }
0xa: {  	s7 =	simm.s32 $0x20;
	[sflag:s4] =	ssyncset.done $0x0  }
0xb: {  	s8 =	simm.s32 $0x1;
	s6 =	sadd.s32 $0x186A00, s16;
	[sflag:s4] =	ssyncadd.s32 $0xFFFFFFE0  }
0xc: {  	[tilespmem:s7], [sflag:$0x1] =	stream.indirect.gather [hbm4b:s6+s7], $0x40, s2, s7, $0xb8;
	[tilespmem:$0xA20] =	vst v63  }
0xd: {  	s9 =	sshll.u32 s17, $0x3;
	_ =	swait.ge [sflag:s8], $0x800  }
0xe: {  	s12 =	sadd.s32 s9, s16;
	[sflag:s8] =	ssyncset.done $0x0  }
0xf: {  	s9 =	sadd.s32 $0x31400, s12;
	[sflag:s8] =	ssyncadd.s32 $0xFFFFF800  }
0x10: {  	[hbm4b:s9+s2] =	stream.linear.scatter [tilespmem:s7], [sflag:$0x2], $0x800, $0x38;
	[tilespmem:$0xA20] =	vst v63  }
0x11: {  	_ =	swait.ge [sflag:s4], $0x800  }
0x12: {  	[sflag:s4] =	ssyncset.done $0x0  }
0x13: {  	s10 =	sadd.s32 $0x200, s3;
	[sflag:s4] =	ssyncadd.s32 $0xFFFFF800  }
0x14: {  	[tilespmem:s2], [sflag:$0x2] =	stream.linear.gather [hbm4b:s10+s2], $0x20, $0x38;
	[tilespmem:$0xA20] =	vst v63  }
0x15: {  	_ =	swait.ge [sflag:s4], $0x20  }
0x16: {  	[sflag:s4] =	ssyncset.done $0x0  }
0x17: {  	[sflag:s4] =	ssyncadd.s32 $0xFFFFFFE0  }
0x18: {  	[tilespmem:s7], [sflag:$0x1] =	stream.indirect.gather [hbm4b:s6+s7], $0x40, s2, s7, $0xb8;
	[tilespmem:$0xA20] =	vst v63  }
0x19: {  	_ =	swait.ge [sflag:s8], $0x800  }
0x1a: {  	[sflag:s8] =	ssyncset.done $0x0  }
0x1b: {  	s11 =	sadd.s32 $0x33C00, s12;
	[sflag:s8] =	ssyncadd.s32 $0xFFFFF800  }
0x1c: {  	[hbm4b:s11+s2] =	stream.linear.scatter [tilespmem:s7], [sflag:$0x2], $0x800, $0x38;
	[tilespmem:$0xA20] =	vst v63  }
0x1d: {  	_ =	swait.ge [sflag:s4], $0x800  }
0x1e: {  	[sflag:s4] =	ssyncset.done $0x0  }
0x1f: {  	[sflag:s4] =	ssyncadd.s32 $0xFFFFF800  }
0x20: {  	[tilespmem:s2], [sflag:$0x2] =	stream.linear.gather [hbm4b:s3+s2], $0x20, $0x38;
	[tilespmem:$0xA20] =	vst v63  }
0x21: {  	_ =	swait.ge [sflag:s4], $0x20  }
0x22: {  	[sflag:s4] =	ssyncset.done $0x0  }
0x23: {  	[sflag:s4] =	ssyncadd.s32 $0xFFFFFFE0  }
0x24: {  	[tilespmem:s7], [sflag:$0x1] =	stream.indirect.gather [hbm4b:s6+s7], $0x40, s2, s7, $0xb8;
	[tilespmem:$0xA20] =	vst v63  }
0x25: {  	_ =	swait.ge [sflag:s8], $0x800  }
0x26: {  	[sflag:s8] =	ssyncset.done $0x0  }
0x27: {  	s12 =	sadd.s32 $0x35C00, s12;
	[sflag:s8] =	ssyncadd.s32 $0xFFFFF800  }
0x28: {  	[hbm4b:s12+s2] =	stream.linear.scatter [tilespmem:s7], [sflag:$0x2], $0x800, $0x38;
	[tilespmem:$0xA20] =	vst v63  }
0x29: {  	_ =	swait.ge [sflag:s4], $0x800  }
0x2a: {  	s18 =	ssub.s32 $0x2, s15;
	[sflag:s4] =	ssyncset.done $0x0  }
0x2b: {  	s15 =	simm.s32 $0x820;
	s13 =	sadd.s32 s13, s14;
	[sflag:s4] =	ssyncadd.s32 $0xFFFFF800  }
0x2c: {  	[tilespmem:s2], [sflag:$0x2] =	stream.linear.gather [hbm4b:s13+s2], $0x20, $0x38;
	[tilespmem:$0xA20] =	vst v63  }
0x2d: {  	s19 =	sshrl.u32 s18, $0x1;
	s17 =	sshll.u32 s17, $0x1;
	_ =	swait.ge [sflag:s4], $0x20  }
0x2e: {  	s31 =	ssub.s32 s18, s19;
	s14 =	sadd.s32 $0x600, s16;
	[sflag:s4] =	ssyncset.done $0x0  }
0x2f: {  	s16 =	sadd.s32 s17, s16;
	s17 =	smax.u32 s31, $0x1;
	[sflag:s4] =	ssyncadd.s32 $0xFFFFFFE0  }
0x30: {  	[tilespmem:s15], [sflag:$0x1] =	stream.indirect.gather [hbm4b:s14+s7], $0x10, s2, s7, $0xb8;
	[tilespmem:$0xA20] =	vst v63  }
0x31: {  	p0 =	sne.s32 s17, $0x1;
	_ =	swait.ge [sflag:s8], $0x200  }
.Ltmp0:
0x32: {  	[sflag:s8] =	ssyncset.done $0x0;
	(pc) =	sbr.rel @!p0 .LBB2_2-.Ltmp0, $4  }
0x33: {  	s16 =	sadd.s32 $0x33400, s16;
	[sflag:s8] =	ssyncadd.s32 $0xFFFFFE00  }
0x34: {  	[hbm4b:s16+s2] =	stream.linear.scatter [tilespmem:s15], [sflag:$0x2], $0x200, $0x38;
	[tilespmem:$0xA20] =	vst v63  }
0x35: {  	_ =	swait.ge [sflag:s4], $0x200  }
0x36: {  	s17 =	sadd.s32 $0xFFFFFFFF, s17;
	[sflag:s4] =	ssyncset.done $0x0  }
.LBB2_1:
0x37: {  	p0 =	sne.s32 s17, $0x1;
	s17 =	sadd.s32 $0xFFFFFFFF, s17;
	[sflag:s4] =	ssyncadd.s32 $0xFFFFFE00  }
0x38: {  	[tilespmem:s2], [sflag:$0x2] =	stream.linear.gather [hbm4b:s5+s2], $0x20, $0x38;
	[tilespmem:$0xA20] =	vst v63  }
0x39: {  	_ =	swait.ge [sflag:s4], $0x20  }
0x3a: {  	[sflag:s4] =	ssyncset.done $0x0  }
0x3b: {  	[sflag:s4] =	ssyncadd.s32 $0xFFFFFFE0  }
0x3c: {  	[tilespmem:s7], [sflag:$0x1] =	stream.indirect.gather [hbm4b:s6+s7], $0x40, s2, s7, $0xb8;
	[tilespmem:$0xA20] =	vst v63  }
0x3d: {  	_ =	swait.ge [sflag:s8], $0x800  }
0x3e: {  	[sflag:s8] =	ssyncset.done $0x0  }
0x3f: {  	[sflag:s8] =	ssyncadd.s32 $0xFFFFF800  }
0x40: {  	[hbm4b:s9+s2] =	stream.linear.scatter [tilespmem:s7], [sflag:$0x2], $0x800, $0x38;
	[tilespmem:$0xA20] =	vst v63  }
0x41: {  	_ =	swait.ge [sflag:s4], $0x800  }
0x42: {  	[sflag:s4] =	ssyncset.done $0x0  }
0x43: {  	[sflag:s4] =	ssyncadd.s32 $0xFFFFF800  }
0x44: {  	[tilespmem:s2], [sflag:$0x2] =	stream.linear.gather [hbm4b:s10+s2], $0x20, $0x38;
	[tilespmem:$0xA20] =	vst v63  }
0x45: {  	_ =	swait.ge [sflag:s4], $0x20  }
0x46: {  	[sflag:s4] =	ssyncset.done $0x0  }
0x47: {  	[sflag:s4] =	ssyncadd.s32 $0xFFFFFFE0  }
0x48: {  	[tilespmem:s7], [sflag:$0x1] =	stream.indirect.gather [hbm4b:s6+s7], $0x40, s2, s7, $0xb8;
	[tilespmem:$0xA20] =	vst v63  }
0x49: {  	_ =	swait.ge [sflag:s8], $0x800  }
0x4a: {  	[sflag:s8] =	ssyncset.done $0x0  }
0x4b: {  	[sflag:s8] =	ssyncadd.s32 $0xFFFFF800  }
0x4c: {  	[hbm4b:s11+s2] =	stream.linear.scatter [tilespmem:s7], [sflag:$0x2], $0x800, $0x38;
	[tilespmem:$0xA20] =	vst v63  }
0x4d: {  	_ =	swait.ge [sflag:s4], $0x800  }
0x4e: {  	[sflag:s4] =	ssyncset.done $0x0  }
0x4f: {  	[sflag:s4] =	ssyncadd.s32 $0xFFFFF800  }
0x50: {  	[tilespmem:s2], [sflag:$0x2] =	stream.linear.gather [hbm4b:s3+s2], $0x20, $0x38;
	[tilespmem:$0xA20] =	vst v63  }
0x51: {  	_ =	swait.ge [sflag:s4], $0x20  }
0x52: {  	[sflag:s4] =	ssyncset.done $0x0  }
0x53: {  	[sflag:s4] =	ssyncadd.s32 $0xFFFFFFE0  }
0x54: {  	[tilespmem:s7], [sflag:$0x1] =	stream.indirect.gather [hbm4b:s6+s7], $0x40, s2, s7, $0xb8;
	[tilespmem:$0xA20] =	vst v63  }
0x55: {  	_ =	swait.ge [sflag:s8], $0x800  }
0x56: {  	[sflag:s8] =	ssyncset.done $0x0  }
0x57: {  	[sflag:s8] =	ssyncadd.s32 $0xFFFFF800  }
0x58: {  	[hbm4b:s12+s2] =	stream.linear.scatter [tilespmem:s7], [sflag:$0x2], $0x800, $0x38;
	[tilespmem:$0xA20] =	vst v63  }
0x59: {  	_ =	swait.ge [sflag:s4], $0x800  }
0x5a: {  	[sflag:s4] =	ssyncset.done $0x0  }
0x5b: {  	[sflag:s4] =	ssyncadd.s32 $0xFFFFF800  }
0x5c: {  	[tilespmem:s2], [sflag:$0x2] =	stream.linear.gather [hbm4b:s13+s2], $0x20, $0x38;
	[tilespmem:$0xA20] =	vst v63  }
0x5d: {  	_ =	swait.ge [sflag:s4], $0x20  }
0x5e: {  	[sflag:s4] =	ssyncset.done $0x0  }
0x5f: {  	[sflag:s4] =	ssyncadd.s32 $0xFFFFFFE0  }
0x60: {  	[tilespmem:s15], [sflag:$0x1] =	stream.indirect.gather [hbm4b:s14+s7], $0x10, s2, s7, $0xb8;
	[tilespmem:$0xA20] =	vst v63  }
0x61: {  	_ =	swait.ge [sflag:s8], $0x200  }
.Ltmp1:
0x62: {  	[sflag:s8] =	ssyncset.done $0x0;
	(pc) =	sbr.rel @p0 .LBB2_1-.Ltmp1, $4  }
0x63: {  	[sflag:s8] =	ssyncadd.s32 $0xFFFFFE00  }
0x64: {  	[hbm4b:s16+s2] =	stream.linear.scatter [tilespmem:s15], [sflag:$0x2], $0x200, $0x38;
	[tilespmem:$0xA20] =	vst v63  }
0x65: {  	_ =	swait.ge [sflag:s4], $0x200  }
0x66: {  	[sflag:s4] =	ssyncset.done $0x0  }
.LBB2_2:
0x67: {  	[sflag:s4] =	ssyncadd.s32 $0xFFFFFE00  }
0x68: {  	_ =	sfence.sel $0x180000  }
0x69: {  	[bflag:$0x0] =	sbarrier.arrive $0xFFFF  }
0x6a: {  	p0 =	sne.s32 s0, $0x0;
	_ =	strace $0x90000047  }
0x6b: {  	s0 =	sadd.s32 @!p0 $0x100000, s1;
	[bflag:$0x2] =	sbarrier.arrive $0xFFFF  }
0x6c: {  	[sflag:s0] =	ssyncadd.tile.s32 @!p0 $0x1;
	_ =	shalt  }
.Lfunc_end2:
_tile_overlayer_lowered:
.L_overlay_start_2:
0x6d: {  	(tag) =	ssettag $0x2  }
0x6e: {  	s0 =	rddreg [dreg:$0x0];
	s2 =	stileid.u32  }
0x6f: {  	s1 =	rddreg [dreg:$0x1];
	p0 =	sne.s32 s2, $0x0  }
0x70: {  	s3 =	rddreg [dreg:$0x2];
	[bflag:$0x3] =	sbarrier.arrive $0xFFFF;
	s2 =	simm.s32 @!p0 $0x1C02  }
0x71: {  	[timem:s3], [sflag:s2] =	dma.local @!p0 [hbm:s0], s1  }
0x72: {  	s0 =	simm.s32 @!p0 $0x2  }
0x73: {  	_ =	swait.ge @!p0 [sflag:s0], s1  }
0x74: {  	s1 =	ssub.s32 @!p0 $0x0, s1;
	[sflag:s0] =	ssyncset.done @!p0 $0x0  }
0x75: {  	[sflag:s0] =	ssyncadd.s32 @!p0 s1  }
0x76: {  	[bflag:$0x3] =	sbarrier.arrive $0xFFFF  }
0x77: {  	_ =	shalt  }

</sc_bundles>
